<compile_context>
chip_gen: v7x
topology: tpu7x:2x2x1
jax: 0.10.2.dev20260603
libtpu: 0.0.44.dev20260713+nightly
codegen_flags: <defaults>
</compile_context>

<pallas_src>
import jax
import jax.numpy as jnp
from jax.experimental import pallas as pl

NUM_BINS = 41
DEPTH_START = 4.0
DEPTH_END = 45.0
X_MIN, X_MAX = -50.0, 50.0
Y_MIN, Y_MAX = -50.0, 50.0
BEV_RES = 0.5
BEV_W = int((X_MAX - X_MIN) / BEV_RES)
BEV_H = int((Y_MAX - Y_MIN) / BEV_RES)
C_F = 64
NUM_CLASSES = 10


def _logits_kernel(f_ref, w_ref, b_ref, o_ref):
    f = f_ref[0]
    w = w_ref[...]
    o_ref[0] = jax.lax.dot_general(w, f, (((1,), (0,)), ((), ())),
                                   preferred_element_type=jnp.float32) + b_ref[...][:, :1]


def kernel(features, intrinsics, extrinsics, w_depth, b_depth, w_conv1, b_conv1, w_conv2, b_conv2):
    B, N, C, H, W = features.shape
    HW = H * W
    f2 = features.reshape(B * N, C, HW)
    logits = pl.pallas_call(
        _logits_kernel,
        grid=(B * N,),
        in_specs=[
            pl.BlockSpec((1, C, HW), lambda i: (i, 0, 0)),
            pl.BlockSpec((NUM_BINS, C), lambda i: (0, 0)),
            pl.BlockSpec((NUM_BINS, 1), lambda i: (0, 0)),
        ],
        out_specs=pl.BlockSpec((1, NUM_BINS, HW), lambda i: (i, 0, 0)),
        out_shape=jax.ShapeDtypeStruct((B * N, NUM_BINS, HW), jnp.float32),
    )(f2, w_depth, b_depth[:, None])
    logits = logits.reshape(B * N, NUM_BINS, H, W)
    depth_probs = jax.nn.softmax(logits, axis=1).reshape(B, N, NUM_BINS, H, W)

    ys, xs = jnp.meshgrid(jnp.arange(H, dtype=jnp.float32), jnp.arange(W, dtype=jnp.float32), indexing='ij')
    pixel = jnp.stack([xs, ys, jnp.ones_like(xs)], axis=-1)
    Kinv = jnp.linalg.inv(intrinsics)
    rays = jnp.einsum('bnij,hwj->bnhwi', Kinv, pixel)
    depths = jnp.linspace(DEPTH_START, DEPTH_END, NUM_BINS, dtype=jnp.float32)
    coords_cam = rays[:, :, None, :, :, :] * depths[None, None, :, None, None, None]
    lifted = features[:, :, None, :, :, :] * depth_probs[:, :, :, None, :, :]
    hom = jnp.concatenate([coords_cam, jnp.ones_like(coords_cam[..., :1])], axis=-1)
    cw_hom = jnp.einsum('bnij,bndhwj->bndhwi', extrinsics, hom)
    coords_world = cw_hom[..., :3] / cw_hom[..., 3:]
    x = coords_world[..., 0]
    y = coords_world[..., 1]
    xf = (x - X_MIN) / (X_MAX - X_MIN) * BEV_W
    yf = (y - Y_MIN) / (Y_MAX - Y_MIN) * BEV_H
    xf = jnp.clip(xf, -1e9, 1e9)
    yf = jnp.clip(yf, -1e9, 1e9)
    xi = xf.astype(jnp.int32)
    yi = yf.astype(jnp.int32)
    valid = (xi >= 0) & (xi < BEV_W) & (yi >= 0) & (yi < BEV_H)
    b_idx = jnp.broadcast_to(jnp.arange(B, dtype=jnp.int32)[:, None, None, None, None], x.shape)
    lin = b_idx * (BEV_H * BEV_W) + yi * BEV_W + xi
    lin = jnp.where(valid, lin, 0).reshape(-1)
    feats = jnp.moveaxis(lifted, 3, 5).reshape(-1, C)
    feats = jnp.where(valid.reshape(-1, 1), feats, 0.0)
    bev = jnp.zeros((B * BEV_H * BEV_W, C), dtype=features.dtype).at[lin].add(feats)
    bev = bev.reshape(B, BEV_H, BEV_W, C).transpose(0, 3, 1, 2)
    h1 = jax.lax.conv_general_dilated(bev, w_conv1, (1, 1), ((1, 1), (1, 1)),
                                      dimension_numbers=('NCHW', 'OIHW', 'NCHW')) + b_conv1[None, :, None, None]
    h1 = jax.nn.relu(h1)
    out = jax.lax.conv_general_dilated(h1, w_conv2, (1, 1), ((0, 0), (0, 0)),
                                       dimension_numbers=('NCHW', 'OIHW', 'NCHW')) + b_conv2[None, :, None, None]
    return out

# --- scband reference (transcript-rebuilt; emitter-appended) ---
"""Pipeline reference for scband-lssmodel-40020505264286 (READ-ONLY COPY).

The authoritative reference and input builder live on the scoring server;
editing this copy changes nothing except your own understanding.
"""

import jax, jax.numpy as jnp
import numpy as np

NUM_BINS = 41
DEPTH_START = 4.0
DEPTH_END = 45.0
X_MIN, X_MAX = -50.0, 50.0
Y_MIN, Y_MAX = -50.0, 50.0
BEV_RES = 0.5
BEV_W = int((X_MAX - X_MIN) / BEV_RES)
BEV_H = int((Y_MAX - Y_MIN) / BEV_RES)
C_F = 64
NUM_CLASSES = 10


def setup_inputs(seed: int = 0) -> dict:
    key = jax.random.key(seed)
    ks = jax.random.split(key, 9)
    features = jax.random.normal(ks[0], (4, 6, C_F, 16, 44), dtype=jnp.float32)
    intrinsics = jax.random.normal(ks[1], (4, 6, 3, 3), dtype=jnp.float32)
    extrinsics = jax.random.normal(ks[2], (4, 6, 4, 4), dtype=jnp.float32)
    w_depth = jax.random.normal(ks[3], (NUM_BINS, C_F), dtype=jnp.float32) * 0.05
    b_depth = jnp.zeros((NUM_BINS,), dtype=jnp.float32)
    w_conv1 = jax.random.normal(ks[4], (128, C_F, 3, 3), dtype=jnp.float32) * 0.02
    b_conv1 = jnp.zeros((128,), dtype=jnp.float32)
    w_conv2 = jax.random.normal(ks[5], (NUM_CLASSES, 128, 1, 1), dtype=jnp.float32) * 0.02
    b_conv2 = jnp.zeros((NUM_CLASSES,), dtype=jnp.float32)
    return {"features": features, "intrinsics": intrinsics, "extrinsics": extrinsics,
            "w_depth": w_depth, "b_depth": b_depth, "w_conv1": w_conv1, "b_conv1": b_conv1,
            "w_conv2": w_conv2, "b_conv2": b_conv2}


def reference(features, intrinsics, extrinsics, w_depth, b_depth, w_conv1, b_conv1, w_conv2, b_conv2):
    B, N, C, H, W = features.shape
    # DepthPredictor: 1x1 conv over flattened cams + softmax over bins
    f2 = features.reshape(B * N, C, H, W)
    logits = jnp.einsum('bchw,dc->bdhw', f2, w_depth) + b_depth[None, :, None, None]
    depth_probs = jax.nn.softmax(logits, axis=1).reshape(B, N, NUM_BINS, H, W)
    # LiftModule: camera rays from inverse intrinsics
    ys, xs = jnp.meshgrid(jnp.arange(H, dtype=jnp.float32), jnp.arange(W, dtype=jnp.float32), indexing='ij')
    pixel = jnp.stack([xs, ys, jnp.ones_like(xs)], axis=-1)  # [H, W, 3]
    Kinv = jnp.linalg.inv(intrinsics)  # [B, N, 3, 3]
    rays = jnp.einsum('bnij,hwj->bnhwi', Kinv, pixel)  # [B, N, H, W, 3]
    depths = jnp.linspace(DEPTH_START, DEPTH_END, NUM_BINS, dtype=jnp.float32)
    coords_cam = rays[:, :, None, :, :, :] * depths[None, None, :, None, None, None]  # [B,N,D,H,W,3]
    lifted = features[:, :, None, :, :, :] * depth_probs[:, :, :, None, :, :]  # [B,N,D,C,H,W]
    # transform_to_world
    hom = jnp.concatenate([coords_cam, jnp.ones_like(coords_cam[..., :1])], axis=-1)
    cw_hom = jnp.einsum('bnij,bndhwj->bndhwi', extrinsics, hom)
    coords_world = cw_hom[..., :3] / cw_hom[..., 3:]
    # SplatModule: scatter-add into BEV grid
    x = coords_world[..., 0]
    y = coords_world[..., 1]
    xf = (x - X_MIN) / (X_MAX - X_MIN) * BEV_W
    yf = (y - Y_MIN) / (Y_MAX - Y_MIN) * BEV_H
    xf = jnp.clip(xf, -1e9, 1e9)
    yf = jnp.clip(yf, -1e9, 1e9)
    xi = xf.astype(jnp.int32)
    yi = yf.astype(jnp.int32)
    valid = (xi >= 0) & (xi < BEV_W) & (yi >= 0) & (yi < BEV_H)
    b_idx = jnp.broadcast_to(jnp.arange(B, dtype=jnp.int32)[:, None, None, None, None], x.shape)
    lin = b_idx * (BEV_H * BEV_W) + yi * BEV_W + xi
    lin = jnp.where(valid, lin, 0).reshape(-1)
    feats = jnp.moveaxis(lifted, 3, 5).reshape(-1, C)  # [B,N,D,H,W,C] -> [P, C]
    feats = jnp.where(valid.reshape(-1, 1), feats, 0.0)
    bev = jnp.zeros((B * BEV_H * BEV_W, C), dtype=features.dtype).at[lin].add(feats)
    bev = bev.reshape(B, BEV_H, BEV_W, C).transpose(0, 3, 1, 2)  # [B, C, bevH, bevW]
    # BEVProcessor
    h1 = jax.lax.conv_general_dilated(bev, w_conv1, (1, 1), ((1, 1), (1, 1)),
                                      dimension_numbers=('NCHW', 'OIHW', 'NCHW')) + b_conv1[None, :, None, None]
    h1 = jax.nn.relu(h1)
    out = jax.lax.conv_general_dilated(h1, w_conv2, (1, 1), ((0, 0), (0, 0)),
                                       dimension_numbers=('NCHW', 'OIHW', 'NCHW')) + b_conv2[None, :, None, None]
    return out

if __name__ == "__main__":
    import jax
    _d = setup_inputs()
    print(jax.jit(kernel)(*tuple(_d.values())))

</pallas_src>

<mosaic_0001>
module attributes {stable_mosaic.version = 14 : i64} {
  func.func @_logits_kernel(%arg0: i32, %arg1: memref<1x64x704xf32, #tpu.memory_space<vmem>>, %arg2: memref<41x64xf32, #tpu.memory_space<vmem>>, %arg3: memref<41x1xf32, #tpu.memory_space<vmem>>, %arg4: memref<1x41x704xf32, #tpu.memory_space<vmem>>) attributes {dimension_semantics = [#tpu.dimension_semantics<arbitrary>], iteration_bounds = array<i64: 24>, scalar_prefetch = 0 : i64, scratch_operands = 0 : i64, tpu.core_type = #tpu.core_type<tc>, window_params = [{transform_indices = @transform_0, window_bounds = array<i64: 1, 64, 704>}, {pipeline_mode = #tpu.pipeline_mode<synchronous>, transform_indices = @transform_1, window_bounds = array<i64: 41, 64>}, {pipeline_mode = #tpu.pipeline_mode<synchronous>, transform_indices = @transform_2, window_bounds = array<i64: 41, 1>}, {transform_indices = @transform_3, window_bounds = array<i64: 1, 41, 704>}]} {
    %get3A = arith.constant 0 : index
    %get3A_0 = arith.constant 0 : index
    %get3A_1 = arith.constant 0 : index
    %get3A_2 = vector.load %arg1[%get3A, %get3A_0, %get3A_1] : memref<1x64x704xf32, #tpu.memory_space<vmem>>, vector<1x64x704xf32>
    %get3A_3 = vector.shape_cast %get3A_2 : vector<1x64x704xf32> to vector<64x704xf32>
    %get3A_4 = arith.constant 0 : index
    %get3A_5 = arith.constant 0 : index
    %get3A_6 = vector.load %arg2[%get3A_4, %get3A_5] : memref<41x64xf32, #tpu.memory_space<vmem>>, vector<41x64xf32>
    %dot_general3A = arith.constant dense<0.000000e+00> : vector<41x704xf32>
    %dot_general3A_7 = tpu.matmul %get3A_6, %get3A_3, %dot_general3A {dimension_numbers = #tpu.dot_dimension_numbers<[1], [0], [0], [1], [0, 0, 1, 1], [], []>, transpose_lhs_hint = false} : vector<41x64xf32>, vector<64x704xf32>, vector<41x704xf32> -> vector<41x704xf32>
    %get3A_8 = arith.constant 0 : index
    %get3A_9 = arith.constant 0 : index
    %get3A_10 = vector.load %arg3[%get3A_8, %get3A_9] : memref<41x1xf32, #tpu.memory_space<vmem>>, vector<41x1xf32>
    %add3A = vector.broadcast %get3A_10 : vector<41x1xf32> to vector<41x704xf32>
    %add3A_11 = arith.addf %dot_general3A_7, %add3A : vector<41x704xf32>
    %swap3A = arith.constant 0 : index
    %swap3A_12 = arith.constant 0 : index
    %swap3A_13 = arith.constant 0 : index
    %swap3A_14 = vector.load %arg4[%swap3A, %swap3A_12, %swap3A_13] : memref<1x41x704xf32, #tpu.memory_space<vmem>>, vector<1x41x704xf32>
    %swap3A_15 = vector.shape_cast %swap3A_14 : vector<1x41x704xf32> to vector<41x704xf32>
    %swap3A_16 = vector.shape_cast %add3A_11 : vector<41x704xf32> to vector<1x41x704xf32>
    tpu.vector_store %arg4[%swap3A, %swap3A_12, %swap3A_13], %swap3A_16 {strides = array<i32>} : memref<1x41x704xf32, #tpu.memory_space<vmem>>, vector<1x41x704xf32>,
    return
  }
  func.func @transform_0(%arg0: i32) -> (i32, i32, i32) {
    %c0_i32 = arith.constant 0 : i32
    %c0_i32_0 = arith.constant 0 : i32
    %c0_i32_1 = arith.constant 0 : i32
    return %arg0, %c0_i32, %c0_i32_0 : i32, i32, i32
  }
  func.func @transform_1(%arg0: i32) -> (i32, i32) {
    %c0_i32 = arith.constant 0 : i32
    %c0_i32_0 = arith.constant 0 : i32
    %c0_i32_1 = arith.constant 0 : i32
    return %c0_i32, %c0_i32_0 : i32, i32
  }
  func.func @transform_2(%arg0: i32) -> (i32, i32) {
    %c0_i32 = arith.constant 0 : i32
    %c0_i32_0 = arith.constant 0 : i32
    %c0_i32_1 = arith.constant 0 : i32
    return %c0_i32, %c0_i32_0 : i32, i32
  }
  func.func @transform_3(%arg0: i32) -> (i32, i32, i32) {
    %c0_i32 = arith.constant 0 : i32
    %c0_i32_0 = arith.constant 0 : i32
    %c0_i32_1 = arith.constant 0 : i32
    return %arg0, %c0_i32, %c0_i32_0 : i32, i32, i32
  }
}

</mosaic_0001>

<sc_bundles>
// kernel: scatter_offload_async_start
scs
__scs_entry_jumppad:
0x0: {  	(pc) =	sbr.rel $0x88, $3  }
0x1: {  	(tag) =	ssettag $0x0;
	lr =	simm.s32 $0x1  }
0x2: {  	[smem:$0x3F98] =	sst lr;
	_ =	strace $0xD0000000  }
0x3: {  	_ = 	snop  }
0x4: {  	_ = 	snop  }
0x5: {  	_ = 	snop  }
0x6: {  	_ = 	snop  }
0x7: {  	_ = 	snop  }
__scs_overlays_trampoline_lowered:
0x8: {  	[smem:$0x3FA7] =	sst s0  }
0x9: {  	[smem:$0x3FA8] =	sst s1  }
0xa: {  	[smem:$0x3FA9] =	sst s2  }
0xb: {  	[smem:$0x3FAA] =	sst s3  }
0xc: {  	[smem:$0x3FAB] =	sst s4  }
0xd: {  	[smem:$0x3FAC] =	sst s5  }
0xe: {  	[smem:$0x3FAD] =	sst s6  }
0xf: {  	[smem:$0x3FAE] =	sst s7  }
0x10: {  	[smem:$0x3FAF] =	sst s8  }
0x11: {  	[smem:$0x3FB0] =	sst s9;
	s0 =	simm.s32 @!p0 $0x0  }
0x12: {  	s1 =	sld [smem:$0x3F96];
	s0 =	simm.s32 @p0 $0x1  }
0x13: {  	[smem:$0x3FB1] =	sst s0;
	s0 =	simm.s32 @!p1 $0x0  }
0x14: {  	s2 =	sld [smem:$0x3F95];
	s0 =	simm.s32 @p1 $0x1  }
0x15: {  	[smem:$0x3FB2] =	sst s0;
	s0 =	simm.s32 @!p2 $0x0  }
0x16: {  	s3 =	sld [smem:$0x3FDB];
	s0 =	simm.s32 @p2 $0x1  }
0x17: {  	s4 =	simm.s32 $0x1BF5;
	[smem:$0x3FB4] =	sst s0  }
0x18: {  	s0 =	sld [smem:$0x3F97];
	_ =	swait.ge [sflag:s4], $0x0  }
0x19: {  	s7 =	sld [smem:$0x3F98]  }
0x1a: {  	s8 =	sadd.s32 $0xFFFFE003, lr  }
0x1b: {  	s9 =	sadd.s32 $0xFFFFFEF7, lr;
	s5 =	simm.s32 $0xFFFFFFFF;
	p2 =	slt.u32 s8, $0xFFFFF086  }
0x1c: {  	p1 =	slt.u32 s9, $0xF7A;
	s5 =	simm.s32 @!p2 $0x0  }
0x1d: {  	s5 =	simm.s32 @p1 $0x1;
	p0 =	seq.s32 s7, s2  }
0x1e: {  	s7 =	smul.u32 @!p0 $0xF7A, s2;
	p2 =	seq.s32 @!p0 s5, $0x0  }
0x1f: {  	s9 =	smul.u32 $0xF7A, s1;
	s8 =	simm.s32 @!p0 $0x1BF5;
	p2 =	por !p2, p0  }
0x20: {  	[sflag:s8] =	ssyncset.s32 @!p0 $0xFFFFF086;
	s6 =	sadd.s32 @!p0 s3, s7;
	s7 =	simm.s32 @!p0 $0x108  }
0x21: {  	s3 =	sadd.s32 s3, s9;
	s6 =	sadd.s32 @!p0 $0x88, s6;
	s7 =	simm.s32 @p2 $0x1082  }
0x22: {  	[simem:s7], [sflag:s8] =	dma.local @!p0 [hbm:s6], $0xF7A  }
0x23: {  	s9 =	sor.u32 $0xD0000000, s2;
	s6 =	simm.s32 $0x108;
	_ =	swait.ge @!p0 [sflag:s8], $0x0  }
0x24: {  	s3 =	sadd.s32 $0x88, s3;
	s6 =	simm.s32 @!p1 $0x1082;
	[sflag:s4] =	ssyncset.s32 $0xFFFFF086  }
0x25: {  	[simem:s6], [sflag:s4] =	dma.local [hbm:s3], $0xF7A  }
0x26: {  	[smem:$0x3F98] =	sst s1;
	(tag) =	ssettag s2;
	_ =	strace s9  }
0x27: {  	s1 =	sld [smem:$0x3FA8]  }
0x28: {  	s2 =	sld [smem:$0x3FA9]  }
0x29: {  	s4 =	sld [smem:$0x3FAB]  }
0x2a: {  	p0 =	seq.s32 s5, $0x0;
	s5 =	sld [smem:$0x3FAC]  }
0x2b: {  	s6 =	sld [smem:$0x3FAD]  }
0x2c: {  	s7 =	sld [smem:$0x3FAE]  }
0x2d: {  	s3 =	simm.s32 $0x108;
	s8 =	sld [smem:$0x3FAF]  }
0x2e: {  	s3 =	simm.s32 @!p0 $0x1082;
	s9 =	sld [smem:$0x3FB0]  }
0x2f: {  	lr =	sadd.s32 s0, s3;
	s0 =	sld [smem:$0x3FA7]  }
0x30: {  	s3 =	sld [smem:$0x3FAA]  }
0x31: {  	[smem:$0x3FB3] =	sst s10  }
0x32: {  	s10 =	sld [smem:$0x3FB1];
	_ =	sdelay $0x3  }
0x33: {  	p0 =	seq.s32 s10, $0x1;
	s10 =	sld [smem:$0x3FB3];
	_ =	sdelay $0x3  }
0x34: {  	[smem:$0x3FB3] =	sst s10  }
0x35: {  	s10 =	sld [smem:$0x3FB2];
	_ =	sdelay $0x3  }
0x36: {  	p1 =	seq.s32 s10, $0x1;
	s10 =	sld [smem:$0x3FB3];
	_ =	sdelay $0x3  }
0x37: {  	[smem:$0x3FB3] =	sst s10  }
0x38: {  	s10 =	sld [smem:$0x3FB4]  }
0x39: {  	_ = 	snop;
	(pc) =	sbr.ind lr, $3  }
0x3a: {  	_ = 	snop  }
0x3b: {  	_ = 	snop  }
0x3c: {  	p2 =	seq.s32 s10, $0x1;
	s10 =	sld [smem:$0x3FB3]  }
0x3d: {  	_ =	shalt  }
0x3e: {  	_ =	shalt  }
0x3f: {  	_ =	shalt  }
0x40: {  	_ =	shalt  }
0x41: {  	_ =	shalt  }
0x42: {  	_ =	shalt  }
0x43: {  	_ =	shalt  }
0x44: {  	_ =	shalt  }
0x45: {  	_ =	shalt  }
0x46: {  	_ =	shalt  }
0x47: {  	_ =	shalt  }
0x48: {  	_ =	shalt  }
0x49: {  	_ =	shalt  }
0x4a: {  	_ =	shalt  }
0x4b: {  	_ =	shalt  }
0x4c: {  	_ =	shalt  }
0x4d: {  	_ =	shalt  }
0x4e: {  	_ =	shalt  }
0x4f: {  	_ =	shalt  }
0x50: {  	_ =	shalt  }
0x51: {  	_ =	shalt  }
0x52: {  	_ =	shalt  }
0x53: {  	_ =	shalt  }
0x54: {  	_ =	shalt  }
0x55: {  	_ =	shalt  }
0x56: {  	_ =	shalt  }
0x57: {  	_ =	shalt  }
0x58: {  	_ =	shalt  }
0x59: {  	_ =	shalt  }
0x5a: {  	_ =	shalt  }
0x5b: {  	_ =	shalt  }
0x5c: {  	_ =	shalt  }
0x5d: {  	_ =	shalt  }
0x5e: {  	_ =	shalt  }
0x5f: {  	_ =	shalt  }
0x60: {  	_ =	shalt  }
0x61: {  	_ =	shalt  }
0x62: {  	_ =	shalt  }
0x63: {  	_ =	shalt  }
0x64: {  	_ =	shalt  }
0x65: {  	_ =	shalt  }
0x66: {  	_ =	shalt  }
0x67: {  	_ =	shalt  }
0x68: {  	_ =	shalt  }
0x69: {  	_ =	shalt  }
0x6a: {  	_ =	shalt  }
0x6b: {  	_ =	shalt  }
0x6c: {  	_ =	shalt  }
0x6d: {  	_ =	shalt  }
0x6e: {  	_ =	shalt  }
0x6f: {  	_ =	shalt  }
0x70: {  	_ =	shalt  }
0x71: {  	_ =	shalt  }
0x72: {  	_ =	shalt  }
0x73: {  	_ =	shalt  }
0x74: {  	_ =	shalt  }
0x75: {  	_ =	shalt  }
0x76: {  	_ =	shalt  }
0x77: {  	_ =	shalt  }
0x78: {  	_ =	shalt  }
0x79: {  	_ =	shalt  }
0x7a: {  	_ =	shalt  }
0x7b: {  	_ =	shalt  }
0x7c: {  	_ =	shalt  }
0x7d: {  	_ =	shalt  }
0x7e: {  	_ =	shalt  }
0x7f: {  	_ =	shalt  }
0x80: {  	_ =	shalt  }
0x81: {  	_ =	shalt  }
0x82: {  	_ =	shalt  }
0x83: {  	_ =	shalt  }
0x84: {  	_ =	shalt  }
0x85: {  	_ =	shalt  }
0x86: {  	_ =	shalt  }
0x87: {  	_ =	shalt  }
.Lfunc_end0:
.L_simem_size_0:
called_computation_lowered:
.L_overlay_start_0:
0x88: {  	s2 =	sld [smem:$0x3FD9]  }
0x89: {  	s3 =	sld [smem:$0x3FFE];
	_ =	sdelay $0x1  }
0x8a: {  	s1 =	srdreg.scid  }
0x8b: {  	s0 =	sand.u32 $0x1, s1  }
0x8c: {  	s16 =	sshll.u32 s0, $0xA;
	s2 =	sadd.s32 s3, s2  }
0x8d: {  	s2 =	sadd.s32 s2, s16  }
0x8e: {  	[smem:$0x3FBF] =	sst s2  }
0x8f: {  	_ = 	snop  }
0x90: {  	s2 =	sld [smem:$0x3FD0];
	(tm) =	ssettm $0x1  }
0x91: {  	s17 =	sld [smem:$0x3FFB];
	_ =	sdelay $0x3  }
0x92: {  	_ =	strace s17  }
0x93: {  	s3 =	sld [smem:$0x3FFC];
	_ =	sdelay $0x3  }
0x94: {  	_ =	strace s3  }
0x95: {  	s3 =	sld [smem:$0x3FFD];
	_ =	sdelay $0x3  }
0x96: {  	_ =	strace s3  }
0x97: {  	_ =	strace $0x8FFFFFFF  }
0x98: {  	s18 =	sld [smem:$0x3FDB];
	_ =	sdelay $0x1  }
0x99: {  	s4 =	simm.s32 $_scs_section_size  }
0x9a: {  	s5 =	simm.s32 $_size__tile_overlayer_lowered;
	s6 =	simm.s32 $_tile_overlayer_lowered  }
0x9b: {  	s21 =	simm.s32 $0x1BFF;
	s20 =	sshll.u32 s6, $0x1;
	s3 =	sadd.s32 s4, s18  }
0x9c: {  	s7 =	simm.s32 $0x0;
	s19 =	sshll.u32 s5, $0x1;
	s5 =	sadd.s32 s20, s3  }
0x9d: {  	[timem:s7], [sflag:s21] =	dma.local [hbm:s5], s19  }
0x9e: {  	_ =	swait.ge [sflag:s21], s19  }
0x9f: {  	s4 =	ssub.s32 $0x0, s19;
	[sflag:s21] =	ssyncset.done $0x0  }
0xa0: {  	[sflag:s21] =	ssyncadd.s32 s4;
	_ =	sdelay $0x1  }
0xa1: {  	s22 =	simm.s32 $0x1B8B  }
0xa2: {  	_ =	swait.ge [sflag:s22], $0x1  }
0xa3: {  	[sflag:s22] =	ssyncset.done $0x0  }
0xa4: {  	s23 =	sld [smem:$0x3FFE];
	[sflag:s22] =	ssyncadd.s32 $0xFFFFFFFF  }
0xa5: {  	s25 =	simm.s32 $0x1B8E;
	s24 =	sld [smem:$0x0]  }
0xa6: {  	s26 =	simm.s32 $execute0_lowered;
	[smem:$0x3FD2] =	sst s25  }
0xa7: {  	s6 =	sshll.u32 s26, $0x1;
	_ =	strace $0x80000049;
	[dreg:$0x1] =	wrdreg $0xFFFFFFFF  }
0xa8: {  	s28 =	simm.s32 $_size_execute0_lowered;
	s3 =	sadd.s32 s3, s6;
	[dreg:$0x0] =	wrdreg $0x0  }
0xa9: {  	s6 =	sshll.u32 s28, $0x1;
	[dreg:$0x2] =	wrdreg s3  }
0xaa: {  	[dreg:$0x3] =	wrdreg s6  }
0xab: {  	[dreg:$0x4] =	wrdreg $0xC0  }
0xac: {  	_ =	task [dreg:s7], $0x5FFFF  }
0xad: {  	[dreg:$0x1] =	wrdreg $0xFFFFFFFF  }
0xae: {  	[dreg:$0x0] =	wrdreg $0x60  }
0xaf: {  	[dreg:$0x2] =	wrdreg s23  }
0xb0: {  	[dreg:$0x3] =	wrdreg s2  }
0xb1: {  	[dreg:$0x4] =	wrdreg s1  }
0xb2: {  	[dreg:$0x5] =	wrdreg s24  }
0xb3: {  	[dreg:$0x6] =	wrdreg $0x9  }
0xb4: {  	_ =	task.clear_ibuf [dreg:s7], $0x7FFFF;
	_ =	strace $0x90000049  }
0xb5: {  	s29 =	simm.s32 $0x9;
	_ =	strace $0x8000004B  }
0xb6: {  	_ =	swait.ge [sflag:s29], $0x1  }
0xb7: {  	[sflag:s29] =	ssyncadd.s32 $0xFFFFFFFF  }
0xb8: {  	_ =	strace $0x9000004B  }
0xb9: {  	_ =	sfence  }
0xba: {  	s30 =	sld [smem:$0x0];
	_ =	sdelay $0x2  }
0xbb: {  	s31 =	sshll.u32 s1, $0xD;
	s1 =	sshrl.u32 s1, $0x2  }
0xbc: {  	s3 =	sand.u32 $0x4000, s31;
	s1 =	sadd.s32 s1, s30  }
0xbd: {  	s0 =	sor.u32 s3, s0;
	s1 =	sshll.u32 s1, $0x11  }
0xbe: {  	s0 =	sor.u32 s1, s0  }
0xbf: {  	s0 =	sadd.s32 $0x8F2B, s0  }
0xc0: {  	[sflag:s0] =	ssyncadd.remote.s32 $0x1  }
0xc1: {  	_ =	sfence.sel $0xFFFF  }
0xc2: {  	[dreg:$0x0] =	wrdreg $0xFFFFFFFF;
	(pc) =	sbr.abs _section_cstart, $3  }
0xc3: {  	[dreg:$0x1] =	wrdreg $0xFFFFFFFF  }
0xc4: {  	_ =	task.clear_ibuf [dreg:s7], $0x2FFFF;
	_ =	strace $0x9FFFFFFF  }
0xc5: {  	(tm) =	ssettm $0x7FFFFFFF  }
tec
execute0_lowered:
.L_overlay_start_1:
0x0: {  	(tag) =	ssettag $0x1  }
0x1: {  	s2 =	rddreg [dreg:$0x0]  }
0x2: {  	s0 =	rddreg [dreg:$0x1]  }
0x3: {  	s3 =	rddreg [dreg:$0x2];
	_ =	strace $0x8000004A;
	s1 =	simm.s32 $0x1  }
0x4: {  	s4 =	simm.s32 $0x88;
	v0 =	vimm.s32 $0x0;
	[sflag:s1] =	ssyncpa.u1 $0x0  }
0x5: {  	[tilespmem:s4+$0x30] =	vst v0  }
0x6: {  	s1 =	sadd.s32 $0xB80000, s2;
	s6 =	sadd.s32 $0xEE000, s2;
	[tilespmem:s4+$0x20] =	vst v0  }
0x7: {  	s14 =	sadd.s32 $0x1800, s2;
	s9 =	sand.u32 $0x1, s3;
	s2 =	simm.s32 $0x40;
	[tilespmem:s4+$0x10] =	vst v0  }
.LBB2_1:
0x8: {  	s2 =	sadd.s32 $0x40, s2  }
0x9: {  	[tilespmem:s4+$0x0] =	vst v0;
	s4 =	sadd.s32 $0x40, s4;
	p0 =	slt.u32 s2, $0x5040  }
.Ltmp0:
0xa: {  	(pc) =	sbr.rel @p0 .LBB2_1-.Ltmp0, $4  }
0xb: {  	_ = 	snop  }
0xc: {  	[tilespmem:s4+$0x30] =	vst v0  }
0xd: {  	[tilespmem:s4+$0x20] =	vst v0  }
0xe: {  	[tilespmem:s4+$0x10] =	vst v0  }
0xf: {  	s10 =	stileid.u32  }
0x10: {  	s2 =	smul.u32 $0x43, s10  }
0x11: {  	s3 =	smin.u32 s10, $0xB  }
0x12: {  	s2 =	sadd.s32 s3, s2  }
0x13: {  	p0 =	slt.u32 s10, $0xB;
	s7 =	smul.u32 $0x140, s2;
	s2 =	simm.s32 $0x5500  }
0x14: {  	s2 =	simm.s32 @!p0 $0x53C0  }
0x15: {  	s2 =	sadd.s32 s2, s7  }
0x16: {  	s8 =	smin.u32 s2, $0x54900  }
0x17: {  	s2 =	ssub.s32 s8, s7  }
0x18: {  	s26 =	simm.s32 $0x2;
	s29 =	simm.s32 $0x9;
	p0 =	sgt.s32 s2, $0x0  }
0x19: {  	s30 =	simm.s32 $0xA;
	s31 =	smul.u32 $0xA920, s9;
	s2 =	simm.s32 @!p0 $0x0  }
0x1a: {  	s11 =	simm.s32 $0xB;
	[dreg:$0x5] =	wrdreg s9;
	s28 =	smulhi.u32 $0x66666667, s2  }
0x1b: {  	s12 =	simm.s32 $0x1;
	s18 =	simm.s32 $0x0;
	p1 =	por $0x0, $0x0  }
0x1c: {  	s19 =	simm.s32 $0xC;
	s23 =	simm.s32 $0x0;
	s3 =	sshrl.u32 s28, $0x7  }
0x1d: {  	s20 =	simm.s32 $0x0;
	s22 =	simm.s32 $0x0;
	s5 =	smul.u32 $0x140, s3  }
.Ltmp1:
0x1e: {  	[tilespmem:s4+$0x0] =	vst v0;
	v0 =	vimm.s32 $0xFFFFFFFF;
	[sflag:s26] =	ssyncpa.u1 $0x0;
	s16 =	sshll.u32 s10, $0x7;
	(pc) =	sbr.rel .LBB2_3-.Ltmp1, $4  }
0x1f: {  	[tilespmem:$0xA108] =	vst v0;
	[sflag:s29] =	ssyncpa.u1 $0x0;
	p0 =	sne.s32 s2, s5;
	s2 =	simm.s32 $0x1  }
0x20: {  	s14 =	sadd.s32 s31, s14;
	[sflag:s30] =	ssyncpa.u1 $0x0;
	s2 =	simm.s32 @!p0 $0x0  }
0x21: {  	s15 =	sadd.s32 s31, s0;
	[sflag:s11] =	ssyncpa.u1 $0x0;
	s13 =	sadd.s32 s2, s3  }
0x22: {  	v0 =	vlaneseq.u32;
	s21 =	smov.u32 s7;
	p0 =	por $0x1, $0x1;
	s17 =	sadd.s32 $0x1, s13  }
.LBB2_24:
0x23: {  	s0 =	sshrl.u32 s0, $0x2  }
.LBB2_26:
0x24: {  	_ =	swait.ge [sflag:s19], s0  }
0x25: {  	s30 =	ssub.s32 $0x0, s0;
	v1 =	vmov s25;
	vm0 =	veq.s32 v0, $0x0;
	[sflag:s19] =	ssyncset.done $0x0  }
0x26: {  	vm15 =	veq.s32 v0, $0x2;
	v1 =	vsel vm0, s31, v1;
	[sflag:s19] =	ssyncadd.s32 s30  }
0x27: {  	v1 =	vsel vm15, s23, v1;
	[sflag:s19] =	ssyncpa.u1 $0x1  }
0x28: {  	[tilespmem:$0xA108] =	vst v1  }
.LBB2_27:
0x29: {  	s0 =	sadd.s32 $0x140, s21  }
0x2a: {  	s2 =	smov.u32 s7;
	p2 =	slt.s32 s0, s8  }
0x2b: {  	s2 =	smov.u32 @p2 s0;
	p2 =	sne.s32 s22, s17  }
.Ltmp2:
0x2c: {  	_ = 	snop;
	(pc) =	sbr.rel @!p2 .LBB2_28-.Ltmp2, $4  }
0x2d: {  	_ = 	snop  }
0x2e: {  	s23 =	smov.u32 s20  }
0x2f: {  	s31 =	sadd.s32 $0x1, s22;
	s20 =	smov.u32 s21;
	p0 =	por !p0, !p0  }
0x30: {  	p1 =	por !p1, !p1;
	s22 =	smov.u32 s31;
	s21 =	smov.u32 s2  }
.LBB2_3:
0x31: {  	p2 =	sge.u32 s22, s13  }
0x32: {  	s0 =	smulhi.u32 @!p2 $0xAAAAAAAB, s22  }
0x33: {  	s2 =	smov.u32 s21;
	p3 =	sgt.s32 @!p2 s21, $0x547C0  }
0x34: {  	s3 =	sshra.s32 @!p2 s21, $0x1F;
	p3 =	por !p3, p2;
	s0 =	sshrl.u32 @!p2 s0, $0x1  }
0x35: {  	s3 =	sand.u32 @!p2 s3, s21;
	s2 =	simm.s32 @p3 $0x547C0;
	s0 =	smul.u32 @!p2 $0x3, s0  }
0x36: {  	s2 =	ssub.s32 @!p2 s2, s3  }
0x37: {  	s2 =	sadd.s32 @!p2 $0xFFFAB840, s2;
	s0 =	ssub.s32 @!p2 s22, s0  }
0x38: {  	s3 =	sshll.u32 @!p2 s2, $0x2;
	p3 =	sgt.s32 @!p2 s2, $0x13F;
	s0 =	smul.u32 @!p2 $0x500, s0  }
0x39: {  	s4 =	sand.u32 @!p2 $0x7, s21;
	s2 =	ssub.s32 @!p2 $0x500, s3;
	p3 =	por !p3, p2  }
0x3a: {  	s3 =	sshrl.u32 @!p2 s21, $0x3;
	s2 =	sshrl.u32 @!p2 s2, $0x2;
	s0 =	sshrl.u32 @!p2 s0, $0x2  }
0x3b: {  	s3 =	sadd.s32 @!p2 s3, s14;
	s2 =	simm.s32 @!p3 $0x0;
	s0 =	sadd.s32 @!p2 $0xA948, s0  }
0x3c: {  	[tilespmem:s0], [sflag:$0xA] =	stream.linear.gather @!p2 [hbm4b:s3+s4], s2, $0x38;
	[tilespmem:$0x1EF88] =	vst v63  }
0x3d: {  	s4 =	sadd.s32 $0xFFFFFFFF, s22  }
0x3e: {  	p2 =	sge.u32 s4, s13  }
0x3f: {  	p3 =	sgt.s32 @!p2 s20, $0x547C0  }
0x40: {  	s0 =	smov.u32 s20;
	s2 =	sshra.s32 @!p2 s20, $0x1F;
	p3 =	por !p3, p2  }
0x41: {  	s2 =	sand.u32 @!p2 s2, s20;
	s0 =	simm.s32 @p3 $0x547C0  }
0x42: {  	s0 =	ssub.s32 @!p2 s0, s2  }
0x43: {  	s0 =	sadd.s32 @!p2 $0xFFFAB840, s0  }
0x44: {  	s2 =	sshll.u32 @!p2 s0, $0x2  }
0x45: {  	p3 =	sgt.s32 @!p2 s0, $0x13F;
	s0 =	ssub.s32 @!p2 $0x500, s2  }
0x46: {  	p3 =	por !p3, p2;
	s0 =	sshrl.u32 @!p2 s0, $0x2  }
0x47: {  	s3 =	simm.s32 @!p2 $0xA;
	s2 =	sand.u32 @!p2 $0x1, s4;
	s0 =	simm.s32 @!p3 $0x0  }
0x48: {  	s2 =	smul.u32 @!p2 $0x500, s2;
	_ =	swait.ge @!p2 [sflag:s3], s0  }
0x49: {  	s5 =	ssub.s32 @!p2 $0x0, s0;
	[sflag:s3] =	ssyncset.done @!p2 $0x0  }
0x4a: {  	s2 =	sshrl.u32 @!p2 s2, $0x2;
	[sflag:s3] =	ssyncadd.s32 @!p2 s5;
	s3 =	sshrl.u32 @!p2 s20, $0x3  }
0x4b: {  	s2 =	sadd.s32 @!p2 $0xAD08, s2;
	s5 =	sand.u32 @!p2 $0x7, s20;
	s3 =	sadd.s32 @!p2 s3, s15  }
0x4c: {  	[tilespmem:s2], [sflag:$0xB] =	stream.linear.gather @!p2 [hbm4b:s3+s5], s0, $0x38;
	[tilespmem:$0x1EF88] =	vst v63  }
0x4d: {  	s0 =	ssub.s32 @!p2 $0x54900, s20  }
0x4e: {  	p3 =	slt.s32 @!p2 s0, $0x1  }
0x4f: {  	p3 =	por p2, p3  }
.Ltmp3:
0x50: {  	_ = 	snop;
	(pc) =	sbr.rel @p3 .LBB2_9-.Ltmp3, $1  }
0x51: {  	_ =	sdelay $0x3  }
0x52: {  	s2 =	smulhi.u32 $0xAAAAAAAB, s4;
	_ =	sdelay $0x1  }
0x53: {  	s2 =	sshrl.u32 s2, $0x1  }
0x54: {  	s2 =	smul.u32 $0x3, s2;
	_ =	sdelay $0x1  }
0x55: {  	s2 =	ssub.s32 s4, s2  }
0x56: {  	s3 =	simm.s32 $0x1;
	s2 =	smul.u32 $0x500, s2  }
.Ltmp4:
0x57: {  	s3 =	simm.s32 @!p0 $0x0;
	(pc) =	sbr.rel .LBB2_6-.Ltmp4, $4  }
0x58: {  	s3 =	smul.u32 $0x28000, s3  }
0x59: {  	p3 =	slt.s32 @!p2 s0, $0x140;
	s2 =	sshrl.u32 s2, $0x2  }
0x5a: {  	p2 =	por !p3, p2;
	s3 =	sshrl.u32 s3, $0x2;
	s2 =	sadd.s32 $0xA948, s2  }
0x5b: {  	s24 =	simm.s32 $0x0;
	s0 =	simm.s32 @p2 $0x140;
	s4 =	sadd.s32 $0xAF88, s3;
	v1 =	vmov s2  }
.LBB2_5:
0x5c: {  	p2 =	sge.s32 s24, s0  }
.Ltmp5:
0x5d: {  	_ = 	snop;
	(pc) =	sbr.rel @p2 .LBB2_9-.Ltmp5, $2  }
0x5e: {  	_ =	sdelay $0x2  }
0x5f: {  	s4 =	sadd.s32 $0x800, s4  }
.LBB2_6:
0x60: {  	p2 =	sle.s32 s0, s24  }
.Ltmp6:
0x61: {  	_ = 	snop;
	(pc) =	sbr.rel @p2 .LBB2_5-.Ltmp6, $2  }
0x62: {  	_ =	sdelay $0x2  }
0x63: {  	s5 =	smov.u32 s24;
	s24 =	sadd.s32 $0x10, s24  }
0x64: {  	s2 =	ssub.s32 s0, s5  }
0x65: {  	p2 =	slt.s32 s2, $0x10  }
0x66: {  	s2 =	simm.s32 @!p2 $0x10  }
0x67: {  	v2 =	vmov s2  }
0x68: {  	vm0 =	vgt.s32 v2, v0;
	_ =	sdelay $0x5  }
0x69: {  	v2 =	vld.idx.msk [tilespmem:v1+s5+$0x0 ss:$0x1], vm0;
	_ =	sdelay $0x2  }
0x6a: {  	p2 =	slt.s32 s24, s0;
	s2 =	smov.u32 s0  }
0x6b: {  	s3 =	smov.u32 s4;
	s25 =	simm.s32 $0x0;
	s2 =	smov.u32 @p2 s24  }
.LBB2_8:
0x6c: {  	(v2sf) =	vpush v2, s25;
	_ =	sdelay $0xc  }
0x6d: {  	s25 =	sadd.s32 $0x1, s25  }
0x6e: {  	s31 =	sadd.s32 s25, s5  }
0x6f: {  	p2 =	slt.s32 s31, s2;
	s9 =	spop (v2sf)  }
.Ltmp7:
0x70: {  	s9 =	sshll.u32 s9, $0x4;
	(pc) =	sbr.rel @p2 .LBB2_8-.Ltmp7, $4  }
0x71: {  	s9 =	sand.u32 $0x1FFFFFF0, s9  }
0x72: {  	s9 =	sadd.s32 s6, s9  }
0x73: {  	[tilespmem:s3], [sflag:$0x9] =	stream.linear.gather [hbm4b:s9+s18], $0x40, $0x38;
	[tilespmem:$0x1EF88] =	vst v63  }
0x74: {  	s3 =	sadd.s32 $0x80, s3  }
.Ltmp8:
0x75: {  	_ = 	snop;
	(pc) =	sbr.rel .LBB2_5-.Ltmp8, $1  }
0x76: {  	_ =	sdelay $0x3  }
.LBB2_9:
0x77: {  	p2 =	slt.u32 s22, $0x2  }
.Ltmp9:
0x78: {  	_ = 	snop;
	(pc) =	sbr.rel @p2 .LBB2_27-.Ltmp9, $1  }
0x79: {  	_ =	sdelay $0x3  }
0x7a: {  	p2 =	sgt.s32 s23, $0x547C0  }
0x7b: {  	s0 =	smov.u32 s23;
	s2 =	sshra.s32 s23, $0x1F;
	s3 =	ssub.s32 $0x54900, s23  }
0x7c: {  	s0 =	simm.s32 @!p2 $0x547C0;
	s2 =	sand.u32 s2, s23;
	p2 =	slt.s32 s3, $0x140  }
0x7d: {  	s0 =	ssub.s32 s0, s2;
	s3 =	simm.s32 @!p2 $0x140  }
0x7e: {  	s0 =	sadd.s32 $0xFFFAB840, s0;
	s10 =	sshll.u32 s3, $0x6  }
0x7f: {  	s26 =	simm.s32 $0x9;
	s24 =	sshll.u32 s0, $0x2;
	s2 =	sand.u32 $0x3FFFFFC0, s10  }
0x80: {  	p2 =	sgt.s32 s0, $0x13F;
	s25 =	ssub.s32 $0x500, s24;
	_ =	swait.ge [sflag:s26], s2  }
0x81: {  	s2 =	ssub.s32 $0x0, s2;
	[sflag:s26] =	ssyncset.done $0x0;
	s0 =	sshrl.u32 s25, $0x2  }
0x82: {  	[sflag:s26] =	ssyncadd.s32 s2;
	s0 =	simm.s32 @p2 $0x0  }
0x83: {  	_ =	swait.ge [sflag:s11], s0  }
0x84: {  	s0 =	ssub.s32 $0x0, s0;
	[sflag:s11] =	ssyncset.done $0x0  }
0x85: {  	[sflag:s11] =	ssyncadd.s32 s0  }
0x86: {  	v1 =	vld [tilespmem:$0xA108];
	_ =	sdelay $0x4  }
0x87: {  	(v2sf) =	vpush v1, $0x0  }
0x88: {  	(v2sf) =	vpush v1, $0x1  }
0x89: {  	(v2sf) =	vpush v1, $0x2;
	_ =	sdelay $0x3  }
0x8a: {  	s0 =	sadd.s32 $0x140, s23  }
0x8b: {  	s2 =	ssub.s32 $0xA9200, s23;
	p2 =	slt.s32 s8, s0  }
0x8c: {  	s0 =	smov.u32 @p2 s8;
	p2 =	sgt.s32 s2, $0x0  }
0x8d: {  	s0 =	ssub.s32 s0, s23;
	s2 =	simm.s32 @!p2 $0x0  }
0x8e: {  	p2 =	slt.s32 s2, s0  }
0x8f: {  	s0 =	smov.u32 @p2 s2  }
0x90: {  	s26 =	simm.s32 $0x1;
	p2 =	slt.s32 s0, $0x1  }
.Ltmp10:
0x91: {  	s26 =	simm.s32 @!p1 $0x0;
	(pc) =	sbr.rel @p2 .LBB2_14-.Ltmp10, $4  }
0x92: {  	s30 =	smul.u32 $0x500, s26  }
0x93: {  	s28 =	spop (v2sf)  }
0x94: {  	s31 =	sshrl.u32 s30, $0x2;
	s29 =	spop (v2sf)  }
0x95: {  	s24 =	sadd.s32 $0xAD08, s31;
	s23 =	spop (v2sf)  }
0x96: {  	s2 =	smin.u32 s0, $0x10  }
0x97: {  	v1 =	vmov s2  }
0x98: {  	p3 =	sgt.s32 s0, $0x10;
	vm1 =	vgt.u32 v1, v0  }
.Ltmp11:
0x99: {  	_ = 	snop;
	(pc) =	sbr.rel @!p3 .LBB2_13-.Ltmp11, $2  }
0x9a: {  	_ =	sdelay $0x2  }
0x9b: {  	s5 =	simm.s32 $0x10;
	s25 =	sadd.s32 $0xFFFFFFF0, s0;
	s4 =	smov.u32 s24;
	vm0 =	vmmov vm1  }
.LBB2_12:
0x9c: {  	s2 =	smin.u32 s25, $0x10;
	s5 =	sadd.s32 $0x10, s5;
	v1 =	vld.msk [tilespmem:s4+$0x0 ss:$0x1], vm1  }
0x9d: {  	v2 =	vmov s2;
	p3 =	slt.s32 s5, s0  }
0x9e: {  	vm1 =	vgt.u32 v2, v0  }
.Ltmp12:
0x9f: {  	(pc) =	sbr.rel @p3 .LBB2_12-.Ltmp12, $3  }
0xa0: {  	_ =	sdelay $0x1  }
0xa1: {  	v1 =	vshll.u32 v1, $0x4  }
0xa2: {  	s25 =	sadd.s32 $0xFFFFFFF0, s25;
	[tilespmem:s4+$0x0] =	vst.msk vm0, v1;
	s4 =	sadd.s32 $0x10, s4;
	vm0 =	vmmov vm1  }
.LBB2_13:
0xa3: {  	_ =	sdelay $0x4  }
0xa4: {  	v1 =	vld.msk [tilespmem:s4+$0x0 ss:$0x1], vm1;
	_ =	sdelay $0x4  }
0xa5: {  	v1 =	vshll.u32 v1, $0x4  }
0xa6: {  	[tilespmem:s4+$0x0] =	vst.msk vm0, v1  }
.LBB2_14:
0xa7: {  	s2 =	sand.u32 $0x1, s22  }
0xa8: {  	s2 =	smul.u32 $0x140, s2  }
0xa9: {  	p3 =	sne.s32 s29, $0xFFFFFFFF  }
0xaa: {  	v1 =	vld.msk @!p3 [tilespmem:s2+$0xAD08], $0x1;
	_ =	sdelay $0x4  }
0xab: {  	(v2sf) =	vpush @!p3 v1, $0x0;
	_ =	sdelay $0xc  }
.Ltmp13:
0xac: {  	_ = 	snop;
	(pc) =	sbr.rel @p2 .LBB2_25-.Ltmp13, $4  }
0xad: {  	_ = 	snop  }
0xae: {  	s30 =	spop @!p3 (v2sf)  }
0xaf: {  	s23 =	simm.s32 @!p3 $0x0;
	s25 =	smov.u32 s30  }
0xb0: {  	[sflag:s19] =	ssyncpa.u1 $0x0;
	s30 =	smov.u32 @p3 s28;
	s25 =	smov.u32 @p3 s29  }
0xb1: {  	v1 =	vld.msk [tilespmem:s24+$0x0], $0x1;
	_ =	sdelay $0x4  }
0xb2: {  	(v2sf) =	vpush v1, $0x0;
	_ =	sdelay $0xe  }
0xb3: {  	s2 =	smul.u32 $0x28000, s26;
	s4 =	spop (v2sf)  }
0xb4: {  	s28 =	ssub.s32 $0x0, s0;
	p2 =	seq.s32 s30, s4  }
0xb5: {  	s0 =	sadd.s32 $0x1, s28;
	s2 =	sshrl.u32 s2, $0x2;
	p3 =	sgt.s32 @!p2 s30, $0x0  }
0xb6: {  	s26 =	sadd.s32 $0xAFA8, s2;
	s2 =	smov.u32 s30;
	p3 =	por !p3, p2  }
0xb7: {  	s2 =	simm.s32 @p3 $0x0;
	p3 =	seq.s32 s0, $0x0  }
.Ltmp14:
0xb8: {  	_ = 	snop;
	(pc) =	sbr.rel @p3 .LBB2_17-.Ltmp14, $4  }
0xb9: {  	_ = 	snop  }
0xba: {  	s29 =	simm.s32 $0x0;
	s5 =	simm.s32 @!p2 $0x1;
	s3 =	smin.u32 @!p2 s2, $0x270FF8  }
0xbb: {  	s31 =	sadd.s32 $0x1, s24;
	s5 =	smov.u32 @p2 s29;
	s9 =	sand.u32 @!p2 $0x3FFFF8, s3  }
0xbc: {  	s2 =	simm.s32 @!p2 $0x50C8;
	s3 =	sand.u32 @!p2 $0x7, s3;
	s9 =	sadd.s32 @!p2 s1, s9  }
.LBB2_16:
0xbd: {  	s10 =	smov.u32 s5  }
0xbe: {  	[tilespmem:s2], [sflag:$0x2] =	stream.linear.gather @!p2 [hbm4b:s9+s3], $0x40, $0x38;
	[tilespmem:$0x1EF88] =	vst v63  }
0xbf: {  	s0 =	sadd.s32 $0x1, s0;
	s3 =	smov.u32 s4;
	v1 =	vld.msk [tilespmem:s31+$0x0], $0x1  }
0xc0: {  	p3 =	seq.s32 s0, $0x0;
	_ =	sdelay $0x3  }
0xc1: {  	(v2sf) =	vpush v1, $0x0;
	_ =	sdelay $0xe  }
0xc2: {  	s4 =	spop (v2sf)  }
0xc3: {  	p2 =	seq.s32 s3, s4  }
0xc4: {  	p4 =	sgt.s32 @!p2 s3, $0x0;
	s2 =	sshll.u32 @!p2 s5, $0x8;
	s5 =	sadd.s32 @!p2 $0x1, s5  }
.Ltmp15:
0xc5: {  	p4 =	por !p4, p2;
	s2 =	sshra.s32 @!p2 s2, $0x2;
	(pc) =	sbr.rel @!p3 .LBB2_16-.Ltmp15, $4  }
0xc6: {  	s5 =	smov.u32 @p2 s10;
	s3 =	simm.s32 @p4 $0x0;
	s2 =	sadd.s32 @!p2 $0x50C8, s2  }
0xc7: {  	s3 =	smin.u32 @!p2 s3, $0x270FF8  }
0xc8: {  	s9 =	sand.u32 @!p2 $0x3FFFF8, s3;
	s3 =	sand.u32 @!p2 $0x7, s3  }
0xc9: {  	s31 =	sadd.s32 $0x1, s31;
	s9 =	sadd.s32 @!p2 s1, s9  }
.LBB2_17:
0xca: {  	[tilespmem:s2], [sflag:$0x2] =	stream.linear.gather @!p2 [hbm4b:s9+s3], $0x40, $0x38;
	[tilespmem:$0x1EF88] =	vst v63  }
.Ltmp16:
0xcb: {  	s0 =	sshll.u32 s5, $0x6;
	(pc) =	sbr.rel .LBB2_18-.Ltmp16, $4  }
0xcc: {  	s31 =	simm.s32 $0x2;
	s0 =	sand.u32 $0x3FFFFFC0, s0  }
0xcd: {  	_ =	swait.ge [sflag:s31], s0  }
0xce: {  	s0 =	ssub.s32 $0x0, s0;
	[sflag:s31] =	ssyncset.done $0x0  }
0xcf: {  	[sflag:s31] =	ssyncadd.s32 s0;
	s0 =	simm.s32 $0x0  }
.LBB2_19:
0xd0: {  	v1 =	vld [tilespmem:s26+$0xFFFFFFE0];
	_ =	sdelay $0x4  }
0xd1: {  	[tilespmem:s4+$0x88] =	vst.add.f32.msk $0xffff, v1  }
0xd2: {  	v1 =	vld [tilespmem:s26+$0xFFFFFFF0];
	_ =	sdelay $0x4  }
0xd3: {  	[tilespmem:s4+$0x98] =	vst.add.f32.msk $0xffff, v1  }
0xd4: {  	v1 =	vld [tilespmem:s26+$0x0];
	_ =	sdelay $0x4  }
0xd5: {  	[tilespmem:s4+$0xA8] =	vst.add.f32.msk $0xffff, v1  }
0xd6: {  	v1 =	vld [tilespmem:s26+$0x10];
	_ =	sdelay $0x4  }
0xd7: {  	[tilespmem:s4+$0xB8] =	vst.add.f32.msk $0xffff, v1  }
.LBB2_23:
0xd8: {  	s28 =	sadd.s32 $0x1, s28  }
0xd9: {  	p2 =	seq.s32 s28, $0x0  }
.Ltmp17:
0xda: {  	_ = 	snop;
	(pc) =	sbr.rel @p2 .LBB2_24-.Ltmp17, $2  }
0xdb: {  	_ =	sdelay $0x2  }
0xdc: {  	s26 =	sadd.s32 $0x80, s26;
	s24 =	sadd.s32 $0x1, s24;
	s30 =	smov.u32 s31  }
.LBB2_18:
0xdd: {  	v1 =	vld.msk [tilespmem:s24+$0x0], $0x1;
	_ =	sdelay $0x4  }
0xde: {  	(v2sf) =	vpush v1, $0x0;
	_ =	sdelay $0xe  }
0xdf: {  	s31 =	spop (v2sf)  }
0xe0: {  	p2 =	sne.s32 s30, s31  }
.Ltmp18:
0xe1: {  	_ = 	snop;
	(pc) =	sbr.rel @!p2 .LBB2_19-.Ltmp18, $3  }
0xe2: {  	_ =	sdelay $0x1  }
0xe3: {  	s2 =	sshll.u32 s23, $0x8  }
0xe4: {  	s4 =	sshra.s32 s2, $0x2  }
0xe5: {  	p2 =	seq.s32 s30, s25  }
.Ltmp19:
0xe6: {  	_ = 	snop;
	(pc) =	sbr.rel @!p2 .LBB2_21-.Ltmp19, $1  }
0xe7: {  	_ =	sdelay $0x3  }
.Ltmp20:
0xe8: {  	s2 =	sadd.s32 $0x88, s4;
	(pc) =	sbr.rel .LBB2_22-.Ltmp20, $4  }
0xe9: {  	[spmem:s16] =	stream.linear.scatter [tilespmem:s2], [sflag:$0x1], $0x40, $0x38;
	[tilespmem:$0x1EF88] =	vst v63  }
0xea: {  	_ =	swait.ge [sflag:s12], $0x40  }
0xeb: {  	[sflag:s12] =	ssyncset.done $0x0  }
0xec: {  	[sflag:s12] =	ssyncadd.s32 $0xFFFFFFC0  }
.LBB2_21:
0xed: {  	s2 =	sshll.u32 s29, $0x8  }
0xee: {  	s2 =	sshra.s32 s2, $0x2  }
0xef: {  	v1 =	vld [tilespmem:s2+$0x50C8];
	_ =	sdelay $0x4  }
0xf0: {  	[tilespmem:s4+$0x88] =	vst.add.f32.msk $0xffff, v1  }
0xf1: {  	v1 =	vld [tilespmem:s2+$0x50D8];
	_ =	sdelay $0x4  }
0xf2: {  	[tilespmem:s4+$0x98] =	vst.add.f32.msk $0xffff, v1  }
0xf3: {  	v1 =	vld [tilespmem:s2+$0x50E8];
	_ =	sdelay $0x4  }
0xf4: {  	[tilespmem:s4+$0xA8] =	vst.add.f32.msk $0xffff, v1  }
0xf5: {  	v1 =	vld [tilespmem:s2+$0x50F8];
	_ =	sdelay $0x2  }
0xf6: {  	p2 =	sgt.u32 s30, $0x270FF8  }
0xf7: {  	s2 =	sand.u32 @!p2 $0x3FFFF8, s30  }
0xf8: {  	s3 =	sadd.s32 $0x88, s4;
	s2 =	sadd.s32 @!p2 s1, s2;
	[tilespmem:s4+$0xB8] =	vst.add.f32.msk $0xffff, v1;
	s4 =	sand.u32 @!p2 $0x7, s30  }
0xf9: {  	[hbm4b:s2+s4] =	stream.linear.scatter @!p2 [tilespmem:s3], [sflag:$0xC], $0x40, $0x38;
	[tilespmem:$0x1EF88] =	vst v63  }
0xfa: {  	s2 =	simm.s32 $0x0  }
0xfb: {  	s2 =	simm.s32 @!p2 $0x100  }
0xfc: {  	s0 =	sadd.s32 s2, s0  }
.LBB2_22:
0xfd: {  	s2 =	sadd.s32 $0x1, s23  }
0xfe: {  	s3 =	smulhi.u32 $0xCCCCCCCD, s2;
	_ =	sdelay $0x1  }
0xff: {  	v1 =	vld [tilespmem:s26+$0xFFFFFFE0];
	s3 =	sshrl.u32 s3, $0x8  }
0x100: {  	s3 =	smul.u32 $0x140, s3;
	_ =	sdelay $0x1  }
0x101: {  	s23 =	ssub.s32 s2, s3  }
0x102: {  	s2 =	sshll.u32 s23, $0x6  }
0x103: {  	[tilespmem:s2+$0x88] =	vst v1  }
0x104: {  	v1 =	vld [tilespmem:s26+$0xFFFFFFF0];
	_ =	sdelay $0x4  }
0x105: {  	[tilespmem:s2+$0x98] =	vst v1  }
0x106: {  	v1 =	vld [tilespmem:s26+$0x0];
	_ =	sdelay $0x4  }
0x107: {  	[tilespmem:s2+$0xA8] =	vst v1  }
0x108: {  	v1 =	vld [tilespmem:s26+$0x10]  }
.Ltmp21:
0x109: {  	_ = 	snop;
	(pc) =	sbr.rel .LBB2_23-.Ltmp21, $2  }
0x10a: {  	_ =	sdelay $0x2  }
0x10b: {  	s29 =	sadd.s32 $0x1, s29;
	[tilespmem:s2+$0xB8] =	vst v1  }
.LBB2_25:
.Ltmp22:
0x10c: {  	(pc) =	sbr.rel .LBB2_26-.Ltmp22, $4  }
0x10d: {  	_ = 	snop  }
0x10e: {  	s0 =	simm.s32 $0x2  }
0x10f: {  	_ =	swait.ge [sflag:s0], $0x0  }
0x110: {  	s31 =	smov.u32 s30;
	[sflag:s0] =	ssyncset.done $0x0;
	s0 =	simm.s32 $0x0  }
.LBB2_28:
0x111: {  	_ =	sfence.sel $0x180000  }
0x112: {  	s0 =	simm.s32 $0x9;
	[bflag:$0x0] =	sbarrier.arrive $0xFFFF  }
0x113: {  	s24 =	simm.s32 $0xA;
	[sflag:s0] =	ssyncpa.u1 $0x1  }
0x114: {  	s25 =	simm.s32 $0xB;
	[sflag:s24] =	ssyncpa.u1 $0x1  }
0x115: {  	s26 =	simm.s32 $0x2;
	[sflag:s25] =	ssyncpa.u1 $0x1  }
0x116: {  	[sflag:s26] =	ssyncpa.u1 $0x1  }
0x117: {  	v0 =	vld [tilespmem:$0xA108];
	_ =	sdelay $0x4  }
0x118: {  	(v2sf) =	vpush v0, $0x0  }
0x119: {  	(v2sf) =	vpush v0, $0x1;
	_ =	sdelay $0x1  }
0x11a: {  	(v2sf) =	vpush v0, $0x2;
	_ =	sdelay $0xb  }
0x11b: {  	s0 =	spop (v2sf)  }
0x11c: {  	s2 =	spop (v2sf)  }
0x11d: {  	s3 =	smov.u32 s0;
	p0 =	sne.s32 s0, s2  }
0x11e: {  	s4 =	spop (v2sf);
	s3 =	simm.s32 @!p0 $0xFFFFFFFF  }
0x11f: {  	v2 =	vimm.s32 $0x1;
	v3 =	vlaneseq.u32;
	p0 =	seq.s32 s4, $0xFFFFFFFF;
	v1 =	vmov s3  }
0x120: {  	s15 =	stileid.u32;
	v0 =	vperm.xlane v0, v2;
	p1 =	sne.s32 @!p0 s0, s2;
	v1 =	vperm.xlane v1, v3  }
0x121: {  	vm0 =	vcmask $0x3F04;
	s6 =	simm.s32 $0xA108;
	s0 =	simm.s32 @!p0 $0x1;
	p1 =	por !p1, p0  }
0x122: {  	s3 =	sshll.u32 s15, $0x1;
	s2 =	sshll.u32 @!p0 s4, $0x8;
	s0 =	simm.s32 @p1 $0x0;
	v0 =	vsel vm0, v1, v0  }
0x123: {  	s5 =	sor.u32 $0x800, s3;
	s2 =	sshra.s32 @!p0 s2, $0x2;
	s0 =	sor.u32 @!p0 s0, s3;
	[tilespmem:$0xA108] =	vst v0  }
0x124: {  	[spmem:s5] =	stream.linear.scatter [tilespmem:s6], [sflag:$0x1], $0x2, $0x38;
	[tilespmem:$0x1EF88] =	vst v63  }
0x125: {  	s2 =	sadd.s32 @!p0 $0x88, s2;
	s0 =	sshll.u32 @!p0 s0, $0x6  }
0x126: {  	[spmem:s0] =	stream.linear.scatter @!p0 [tilespmem:s2], [sflag:$0x1], $0x40, $0x38;
	[tilespmem:$0x1EF88] =	vst v63  }
0x127: {  	s0 =	simm.s32 @!p0 $0x42  }
0x128: {  	s28 =	simm.s32 $0x1;
	s0 =	simm.s32 @p0 $0x2  }
0x129: {  	_ =	swait.ge [sflag:s28], s0  }
0x12a: {  	s0 =	ssub.s32 $0x0, s0;
	[sflag:s28] =	ssyncset.done $0x0  }
0x12b: {  	p0 =	sne.s32 s15, $0x0;
	[sflag:s28] =	ssyncadd.s32 s0  }
.Ltmp23:
0x12c: {  	_ =	sfence.stream.spmem;
	(pc) =	sbr.rel @p0 .LBB2_45-.Ltmp23, $4  }
0x12d: {  	s29 =	simm.s32 $0x3;
	[bflag:$0x0] =	sbarrier.arrive $0xFFFF  }
0x12e: {  	s30 =	simm.s32 $0x4;
	[sflag:s29] =	ssyncpa.u1 $0x1  }
0x12f: {  	s31 =	simm.s32 $0x3C;
	[sflag:s30] =	ssyncpa.u1 $0x1  }
0x130: {  	s14 =	rddreg [dreg:$0x5];
	[sflag:s31] =	ssyncpa.u1 $0x1  }
0x131: {  	_ =	sfence.stream.spmem;
	s0 =	simm.s32 $0x5  }
0x132: {  	s2 =	simm.s32 $0x800;
	s3 =	simm.s32 $0xA118;
	[sflag:s0] =	ssyncpa.u1 $0x0  }
0x133: {  	[tilespmem:s3], [sflag:$0x5] =	stream.linear.gather [spmem:s2], $0x20, $0x38;
	[tilespmem:$0x1EF88] =	vst v63  }
0x134: {  	s26 =	simm.s32 $0x0;
	s28 =	simm.s32 $0xA138  }
0x135: {  	[tilespmem:s28], [sflag:$0x5] =	stream.linear.gather [spmem:s26], $0x800, $0x38;
	[tilespmem:$0x1EF88] =	vst v63  }
0x136: {  	_ =	swait.ge [sflag:s0], $0x820  }
0x137: {  	[sflag:s0] =	ssyncset.done $0x0  }
0x138: {  	s29 =	simm.s32 $0x0;
	[sflag:s0] =	ssyncadd.s32 $0xFFFFF7E0  }
0x139: {  	v0 =	vld.msk [tilespmem:s29+$0xA118], $0x1;
	_ =	sdelay $0x1  }
0x13a: {  	s30 =	simm.s32 $0x1  }
0x13b: {  	v1 =	vld.msk [tilespmem:s30+$0xA118], $0x1;
	_ =	sdelay $0x1  }
0x13c: {  	(v2sf) =	vpush v0, $0x0;
	_ =	sdelay $0x2  }
0x13d: {  	(v2sf) =	vpush v1, $0x0;
	_ =	sdelay $0x2  }
0x13e: {  	s31 =	simm.s32 $0x2  }
0x13f: {  	v0 =	vld.msk [tilespmem:s31+$0xA118], $0x1;
	_ =	sdelay $0x2  }
0x140: {  	s4 =	simm.s32 $0xFFFFFFFF;
	s2 =	simm.s32 $0xFFFFFFFF;
	s0 =	simm.s32 $0xC  }
.LBB2_30:
0x141: {  	s3 =	smov.u32 s4;
	s5 =	smov.u32 s2  }
0x142: {  	s2 =	sshra.s32 s0, $0x2;
	p1 =	sne.s32 s0, $0x7C;
	s0 =	sadd.s32 $0x4, s0;
	(v2sf) =	vpush v0, $0x0  }
0x143: {  	v0 =	vld.msk [tilespmem:s2+$0xA118], $0x1  }
.Ltmp24:
0x144: {  	(pc) =	sbr.rel @p1 .LBB2_30-.Ltmp24, $4  }
0x145: {  	s4 =	spop (v2sf)  }
0x146: {  	p2 =	sne.s32 s5, $0xFFFFFFFF;
	s2 =	smov.u32 s4  }
0x147: {  	p3 =	seq.s32 s4, $0xFFFFFFFF;
	s2 =	smov.u32 @p2 s5  }
0x148: {  	s4 =	smov.u32 @p3 s3;
	s2 =	smov.u32 @p3 s5  }
0x149: {  	(v2sf) =	vpush v0, $0x0;
	_ =	sdelay $0x8  }
0x14a: {  	s0 =	spop (v2sf)  }
0x14b: {  	p1 =	sne.s32 s2, $0xFFFFFFFF;
	s3 =	smov.u32 s0  }
0x14c: {  	s9 =	simm.s32 $0x6;
	p2 =	seq.s32 s0, $0xFFFFFFFF;
	s3 =	smov.u32 @p1 s2  }
0x14d: {  	s6 =	simm.s32 $0x0;
	s3 =	smov.u32 @p2 s2;
	s2 =	spop (v2sf)  }
0x14e: {  	s0 =	smov.u32 @p2 s4;
	p1 =	sne.s32 s3, $0xFFFFFFFF;
	s5 =	smov.u32 s2  }
.Ltmp25:
0x14f: {  	p2 =	seq.s32 s2, $0xFFFFFFFF;
	s5 =	smov.u32 @p1 s3;
	(pc) =	sbr.rel .LBB2_32-.Ltmp25, $4  }
0x150: {  	s10 =	simm.s32 $0xA0C8;
	s5 =	smov.u32 @p2 s3;
	s7 =	spop (v2sf)  }
0x151: {  	s11 =	simm.s32 $0x0;
	p1 =	sne.s32 s5, $0xFFFFFFFF;
	s8 =	smov.u32 s7  }
0x152: {  	s2 =	smov.u32 @p2 s0;
	p2 =	seq.s32 s7, $0xFFFFFFFF;
	s8 =	smov.u32 @p1 s5  }
0x153: {  	[sflag:s9] =	ssyncpa.u1 $0x0;
	s7 =	smov.u32 @p2 s2;
	s8 =	smov.u32 @p2 s5  }
.LBB2_38:
0x154: {  	p1 =	sgt.u32 s12, $0x270FF8  }
0x155: {  	p2 =	seq.s32 @!p1 s12, s8  }
0x156: {  	p1 =	por p1, p2  }
0x157: {  	p2 =	sne.s32 @!p1 s12, s7  }
0x158: {  	p1 =	por p1, !p2  }
0x159: {  	s0 =	sshll.u32 @p1 s11, $0x8  }
0x15a: {  	s0 =	sand.u32 @!p1 $0x3FFFF8, s12  }
0x15b: {  	s2 =	sand.u32 @!p1 $0x7, s12;
	s0 =	sadd.s32 @!p1 s1, s0  }
0x15c: {  	[tilespmem:s10], [sflag:$0x6] =	stream.linear.gather @!p1 [hbm4b:s0+s2], $0x40, $0x38;
	[tilespmem:$0x1EF88] =	vst v63  }
0x15d: {  	_ =	swait.ge @!p1 [sflag:s9], $0x40  }
0x15e: {  	[sflag:s9] =	ssyncset.done @!p1 $0x0  }
0x15f: {  	[sflag:s9] =	ssyncadd.s32 @!p1 $0xFFFFFFC0  }
0x160: {  	v1 =	vld @!p1 [tilespmem:$0xA0C8];
	_ =	sdelay $0x2  }
0x161: {  	s0 =	sshll.u32 @!p1 s11, $0x8  }
0x162: {  	s2 =	sshrl.u32 @!p1 s0, $0x2  }
0x163: {  	[tilespmem:s2+$0xA138] =	vst.add.f32.msk @!p1 $0xffff, v1  }
0x164: {  	v1 =	vld @!p1 [tilespmem:$0xA0D8];
	_ =	sdelay $0x4  }
0x165: {  	[tilespmem:s2+$0xA148] =	vst.add.f32.msk @!p1 $0xffff, v1  }
0x166: {  	v1 =	vld @!p1 [tilespmem:$0xA0E8];
	_ =	sdelay $0x4  }
0x167: {  	[tilespmem:s2+$0xA158] =	vst.add.f32.msk @!p1 $0xffff, v1  }
0x168: {  	v1 =	vld @!p1 [tilespmem:$0xA0F8];
	_ =	sdelay $0x4  }
0x169: {  	[tilespmem:s2+$0xA168] =	vst.add.f32.msk @!p1 $0xffff, v1  }
0x16a: {  	s0 =	sshrl.u32 s0, $0x2;
	[tilespmem:s6+$0xA118] =	vst.msk $0x1, v0  }
0x16b: {  	v0 =	vld [tilespmem:s0+$0xA138];
	_ =	sdelay $0x2  }
0x16c: {  	s31 =	sshll.u32 s6, $0x8  }
0x16d: {  	s2 =	sshra.s32 s31, $0x2  }
0x16e: {  	[tilespmem:s2+$0xA138] =	vst v0  }
0x16f: {  	v0 =	vld [tilespmem:s0+$0xA148];
	_ =	sdelay $0x4  }
0x170: {  	[tilespmem:s2+$0xA148] =	vst v0  }
0x171: {  	v0 =	vld [tilespmem:s0+$0xA158];
	_ =	sdelay $0x4  }
0x172: {  	[tilespmem:s2+$0xA158] =	vst v0  }
0x173: {  	v0 =	vld [tilespmem:s0+$0xA168];
	_ =	sdelay $0x4  }
0x174: {  	s6 =	sadd.s32 $0x1, s6;
	[tilespmem:s2+$0xA168] =	vst v0  }
.LBB2_39:
0x175: {  	s11 =	sadd.s32 $0x1, s11  }
0x176: {  	p1 =	sne.s32 s11, $0x20  }
.Ltmp26:
0x177: {  	_ = 	snop;
	(pc) =	sbr.rel @!p1 .LBB2_40-.Ltmp26, $1  }
0x178: {  	_ =	sdelay $0x3  }
.LBB2_32:
0x179: {  	v0 =	vld.msk [tilespmem:s11+$0xA118], $0x1;
	_ =	sdelay $0x4  }
0x17a: {  	(v2sf) =	vpush v0, $0x0;
	_ =	sdelay $0xe  }
0x17b: {  	s12 =	spop (v2sf)  }
0x17c: {  	p1 =	seq.s32 s12, $0xFFFFFFFF  }
.Ltmp27:
0x17d: {  	_ = 	snop;
	(pc) =	sbr.rel @p1 .LBB2_39-.Ltmp27, $1  }
0x17e: {  	_ =	sdelay $0x3  }
0x17f: {  	p1 =	slt.s32 s6, $0x1  }
.Ltmp28:
0x180: {  	_ = 	snop;
	(pc) =	sbr.rel @p1 .LBB2_38-.Ltmp28, $1  }
0x181: {  	_ =	sdelay $0x3  }
0x182: {  	s0 =	simm.s32 $0xA118;
	p1 =	por $0x0, $0x0  }
0x183: {  	v1 =	vld.msk @!p1 [tilespmem:s0+$0x0], $0x1;
	_ =	sdelay $0x4  }
0x184: {  	(v2sf) =	vpush @!p1 v1, $0x0;
	_ =	sdelay $0xd  }
0x185: {  	p3 =	sne.s32 s6, $0x1  }
.Ltmp29:
0x186: {  	s2 =	spop @!p1 (v2sf);
	(pc) =	sbr.rel @!p3 .LBB2_36-.Ltmp29, $4  }
0x187: {  	p2 =	seq.s32 @!p1 s12, s2  }
0x188: {  	s13 =	simm.s32 $0x0;
	p2 =	por !p2, p1  }
0x189: {  	s2 =	simm.s32 $0xFFFFFFFF;
	s13 =	simm.s32 @p2 $0xFFFFFFFF  }
0x18a: {  	s4 =	simm.s32 $0x1;
	s13 =	smov.u32 @p1 s2  }
.LBB2_35:
0x18b: {  	s2 =	smov.u32 s13;
	p1 =	sne.s32 s13, $0xFFFFFFFF  }
0x18c: {  	s0 =	sadd.s32 $0x1, s0;
	s13 =	smov.u32 s4;
	s4 =	sadd.s32 $0x1, s4  }
0x18d: {  	p2 =	sne.s32 s6, s4;
	v1 =	vld.msk @!p1 [tilespmem:s0+$0x0], $0x1;
	_ =	sdelay $0x4  }
0x18e: {  	(v2sf) =	vpush @!p1 v1, $0x0;
	_ =	sdelay $0xe  }
.Ltmp30:
0x18f: {  	s3 =	spop @!p1 (v2sf);
	(pc) =	sbr.rel @p2 .LBB2_35-.Ltmp30, $4  }
0x190: {  	p3 =	seq.s32 @!p1 s12, s3  }
0x191: {  	p3 =	por !p3, p1  }
0x192: {  	s13 =	simm.s32 @p3 $0xFFFFFFFF  }
0x193: {  	s13 =	smov.u32 @p1 s2  }
.LBB2_36:
0x194: {  	p1 =	seq.s32 s13, $0xFFFFFFFF  }
.Ltmp31:
0x195: {  	_ = 	snop;
	(pc) =	sbr.rel @p1 .LBB2_38-.Ltmp31, $1  }
0x196: {  	_ =	sdelay $0x3  }
0x197: {  	s0 =	sshll.u32 s11, $0x6  }
0x198: {  	s0 =	sand.u32 $0x3FFFFFC0, s0  }
0x199: {  	v0 =	vld [tilespmem:s0+$0xA138];
	_ =	sdelay $0x2  }
0x19a: {  	s2 =	sshll.u32 s13, $0x8  }
0x19b: {  	s2 =	sshra.s32 s2, $0x2  }
0x19c: {  	[tilespmem:s2+$0xA138] =	vst.add.f32.msk $0xffff, v0  }
0x19d: {  	v0 =	vld [tilespmem:s0+$0xA148];
	_ =	sdelay $0x4  }
0x19e: {  	[tilespmem:s2+$0xA148] =	vst.add.f32.msk $0xffff, v0  }
0x19f: {  	v0 =	vld [tilespmem:s0+$0xA158];
	_ =	sdelay $0x4  }
0x1a0: {  	[tilespmem:s2+$0xA158] =	vst.add.f32.msk $0xffff, v0  }
0x1a1: {  	v0 =	vld [tilespmem:s0+$0xA168]  }
.Ltmp32:
0x1a2: {  	_ = 	snop;
	(pc) =	sbr.rel .LBB2_39-.Ltmp32, $2  }
0x1a3: {  	_ =	sdelay $0x2  }
0x1a4: {  	[tilespmem:s2+$0xA168] =	vst.add.f32.msk $0xffff, v0  }
.LBB2_40:
0x1a5: {  	s0 =	simm.s32 $0x6;
	p1 =	seq.s32 s6, $0x0  }
0x1a6: {  	[sflag:s0] =	ssyncpa.u1 $0x1;
	v0 =	vimm.s32 @p1 $0xFFFFFFFF  }
0x1a7: {  	s0 =	sadd.s32 $0xFFFFFFFF, s6;
	[tilespmem:$0xA938] =	vst @p1 v0  }
0x1a8: {  	v0 =	vld.msk @!p1 [tilespmem:s0+$0xA118], $0x1;
	_ =	sdelay $0x1  }
0x1a9: {  	v1 =	vld.msk @!p1 [tilespmem:$0xA118], $0x1;
	_ =	sdelay $0x2  }
0x1aa: {  	p2 =	seq.s32 @!p1 s0, $0x0;
	v0 =	vbroadcast @!p1 v0, $0x0  }
0x1ab: {  	vm0 =	vmmov @!p1 $0x1;
	p2 =	por !p2, p1  }
0x1ac: {  	v1 =	vnsel @!p1 vm0, $0xFFFFFFFF, v1;
	vm0 =	vcmask @!p1 $0x308;
	v0 =	vpsel !p2, $0xFFFFFFFF, v0  }
0x1ad: {  	p2 =	sne.s32 @!p1 s8, s7;
	v0 =	vsel @!p1 vm0, v1, v0  }
0x1ae: {  	s2 =	simm.s32 @!p1 $0xA138;
	s3 =	simm.s32 @!p1 $0x0;
	p3 =	por !p2, p1;
	[tilespmem:$0xA938] =	vst @!p1 v0  }
0x1af: {  	[spmem:s3] =	stream.linear.scatter @!p1 [tilespmem:s2], [sflag:$0x1], $0x40, $0x38;
	[tilespmem:$0x1EF88] =	vst v63  }
0x1b0: {  	s2 =	sshll.u32 @!p3 s0, $0x8  }
0x1b1: {  	s2 =	sshra.s32 @!p3 s2, $0x2  }
0x1b2: {  	s3 =	simm.s32 @!p3 $0x40;
	s2 =	sadd.s32 @!p3 $0xA138, s2  }
0x1b3: {  	[spmem:s3] =	stream.linear.scatter @!p3 [tilespmem:s2], [sflag:$0x1], $0x40, $0x38;
	[tilespmem:$0x1EF88] =	vst v63  }
0x1b4: {  	s2 =	simm.s32 @!p3 $0x1  }
0x1b5: {  	_ =	swait.ge @!p3 [sflag:s2], $0x80  }
0x1b6: {  	p1 =	por p2, p1;
	[sflag:s2] =	ssyncset.done @!p3 $0x0  }
0x1b7: {  	[sflag:s2] =	ssyncadd.s32 @!p3 $0xFFFFFF80;
	s2 =	simm.s32 @!p1 $0x1  }
0x1b8: {  	_ =	swait.ge @!p1 [sflag:s2], $0x40  }
0x1b9: {  	s29 =	simm.s32 $0xA938;
	[sflag:s2] =	ssyncset.done @!p1 $0x0  }
0x1ba: {  	s30 =	simm.s32 $0x800;
	s31 =	simm.s32 $0x1;
	[sflag:s2] =	ssyncadd.s32 @!p1 $0xFFFFFFC0  }
0x1bb: {  	[spmem:s30] =	stream.linear.scatter [tilespmem:s29], [sflag:$0x1], $0x10, $0x38;
	[tilespmem:$0x1EF88] =	vst v63  }
0x1bc: {  	_ =	swait.ge [sflag:s31], $0x10  }
0x1bd: {  	[sflag:s31] =	ssyncset.done $0x0  }
0x1be: {  	p1 =	seq.s32 s14, $0x0;
	s9 =	rddreg [dreg:$0x2];
	[sflag:s31] =	ssyncadd.s32 $0xFFFFFFF0  }
0x1bf: {  	s3 =	sshll.u32 @p1 s9, $0xE;
	s8 =	rddreg [dreg:$0x3]  }
0x1c0: {  	s2 =	sadd.s32 @p1 $0x15C3C, s3;
	s3 =	sshll.u32 @p1 s8, $0x11  }
0x1c1: {  	_ =	sfence.stream.spmem;
	s2 =	sor.u32 @p1 s3, s2  }
0x1c2: {  	[sflag:s2] =	ssyncadd.remote.s32 @p1 $0x1;
	s2 =	simm.s32 @p1 $0x4  }
0x1c3: {  	s4 =	simm.s32 @!p1 $0x3C;
	s3 =	sand.u32 $0xFFFFFFFE, s9;
	_ =	swait.ge @p1 [sflag:s2], $0x12  }
0x1c4: {  	s5 =	simm.s32 @!p1 $0x0;
	s3 =	sadd.s32 @!p1 $0x4, s3;
	[sflag:s2] =	ssyncset.done @p1 $0x0  }
0x1c5: {  	s7 =	simm.s32 @!p1 $0x80;
	[sflag:s2] =	ssyncadd.s32 @p1 $0xFFFFFFEE;
	s2 =	sshll.u32 @!p1 s3, $0x1A  }
0x1c6: {  	s3 =	sshll.u32 @!p1 s3, $0xD;
	s2 =	sor.u32 @!p1 s2, s8;
	_ =	swait.eq @!p1 [sflag:s4], $0x1  }
0x1c7: {  	s3 =	sor.u32 @!p1 $0x1C04, s3;
	s4 =	simm.s32 @!p1 $0x1C03;
	s2 =	sor.u32 @!p1 $0x80004000, s2  }
0x1c8: {  	[spmem:s7], [sflag:s3] =	dma.general @!p1 [spmem:s5], [sflag:s4], length:$0x10, [dreg:$0x0], stride_count:$0x0, ici_dest:s2, dma_misc:DstOpCode:WRITE  }
0x1c9: {  	p2 =	slt.s32 s0, $0x2;
	s5 =	simm.s32 @!p1 $0x100;
	s7 =	simm.s32 @!p1 $0x102  }
0x1ca: {  	[spmem:s7], [sflag:s3] =	dma.general @!p1 [spmem:s5], [sflag:s4], length:$0x2, [dreg:$0x0], stride_count:$0x0, ici_dest:s2, dma_misc:DstOpCode:WRITE  }
.Ltmp33:
0x1cb: {  	s2 =	simm.s32 @!p1 $0x3;
	(pc) =	sbr.rel @p2 .LBB2_44-.Ltmp33, $4  }
0x1cc: {  	s3 =	sshll.u32 @!p1 s9, $0xE;
	_ =	swait.ge @!p1 [sflag:s2], $0x12  }
0x1cd: {  	s4 =	sshll.u32 @!p1 s8, $0x11;
	s3 =	sadd.s32 @!p1 $0x11C3C, s3;
	[sflag:s2] =	ssyncset.done @!p1 $0x0  }
0x1ce: {  	[sflag:s2] =	ssyncadd.s32 @!p1 $0xFFFFFFEE;
	s2 =	sor.u32 @!p1 s4, s3  }
0x1cf: {  	s0 =	simm.s32 $0x0;
	[sflag:s2] =	ssyncadd.remote.s32 @!p1 $0xFFFFFFFF  }
0x1d0: {  	s0 =	simm.s32 $0xA119  }
0x1d1: {  	v0 =	vld.msk [tilespmem:s0+$0x0], $0x1;
	_ =	sdelay $0x4  }
0x1d2: {  	(v2sf) =	vpush v0, $0x0;
	_ =	sdelay $0xd  }
0x1d3: {  	s3 =	sadd.s32 $0xFFFFFFFE, s6  }
0x1d4: {  	s4 =	sadd.s32 $0xFFFFFFFF, s3;
	s2 =	spop (v2sf)  }
0x1d5: {  	p2 =	sne.s32 s4, $0x0;
	p1 =	sgt.u32 s2, $0x270FF8  }
.Ltmp34:
0x1d6: {  	s5 =	sand.u32 @!p1 $0x3FFFF8, s2;
	(pc) =	sbr.rel @!p2 .LBB2_43-.Ltmp34, $4  }
0x1d7: {  	s0 =	simm.s32 $0xA178;
	s2 =	sand.u32 @!p1 $0x7, s2;
	s3 =	sadd.s32 @!p1 s1, s5  }
0x1d8: {  	[hbm4b:s3+s2] =	stream.linear.scatter @!p1 [tilespmem:s0], [sflag:$0x5], $0x40, $0x38;
	[tilespmem:$0x1EF88] =	vst v63  }
0x1d9: {  	s2 =	simm.s32 $0x0  }
0x1da: {  	s6 =	simm.s32 $0xA11A;
	s5 =	simm.s32 $0x0;
	s2 =	simm.s32 @!p1 $0x100  }
.LBB2_42:
0x1db: {  	v0 =	vld.msk [tilespmem:s6+$0x0], $0x1;
	s4 =	sadd.s32 $0xFFFFFFFF, s4;
	s5 =	sadd.s32 s5, s2  }
0x1dc: {  	p1 =	sne.s32 s4, $0x0;
	_ =	sdelay $0x3  }
0x1dd: {  	(v2sf) =	vpush v0, $0x0;
	_ =	sdelay $0xe  }
.Ltmp35:
0x1de: {  	s3 =	spop (v2sf);
	(pc) =	sbr.rel @p1 .LBB2_42-.Ltmp35, $4  }
0x1df: {  	s2 =	simm.s32 $0x0;
	p2 =	sgt.u32 s3, $0x270FF8  }
0x1e0: {  	s0 =	sadd.s32 $0x40, s0;
	s2 =	simm.s32 @!p2 $0x100;
	s7 =	sand.u32 @!p2 $0x3FFFF8, s3  }
0x1e1: {  	s6 =	sadd.s32 $0x1, s6;
	s3 =	sand.u32 @!p2 $0x7, s3;
	s7 =	sadd.s32 @!p2 s1, s7  }
0x1e2: {  	[hbm4b:s7+s3] =	stream.linear.scatter @!p2 [tilespmem:s0], [sflag:$0x5], $0x40, $0x38;
	[tilespmem:$0x1EF88] =	vst v63  }
.LBB2_43:
0x1e3: {  	s0 =	sadd.s32 s5, s2  }
0x1e4: {  	s0 =	sshrl.u32 s0, $0x2  }
.LBB2_44:
0x1e5: {  	s2 =	simm.s32 $0x5  }
0x1e6: {  	_ =	swait.ge [sflag:s2], s0  }
0x1e7: {  	s31 =	ssub.s32 $0x0, s0;
	[sflag:s2] =	ssyncset.done $0x0  }
0x1e8: {  	[sflag:s2] =	ssyncadd.s32 s31  }
0x1e9: {  	[sflag:s2] =	ssyncpa.u1 $0x1  }
.LBB2_45:
0x1ea: {  	s0 =	sor.u32 s14, s15  }
0x1eb: {  	p1 =	sne.s32 s0, $0x0  }
.Ltmp36:
0x1ec: {  	_ = 	snop;
	(pc) =	sbr.rel @p1 .LBB2_60-.Ltmp36, $3  }
0x1ed: {  	_ =	sdelay $0x1  }
0x1ee: {  	[bflag:$0x0] =	sbarrier.arrive $0xFFFF  }
0x1ef: {  	_ =	sfence  }
0x1f0: {  	s0 =	simm.s32 $0x7  }
0x1f1: {  	s2 =	simm.s32 $0x800;
	s3 =	simm.s32 $0xA118;
	[sflag:s0] =	ssyncpa.u1 $0x0  }
0x1f2: {  	[tilespmem:s3], [sflag:$0x7] =	stream.linear.gather [spmem:s2], $0x20, $0x38;
	[tilespmem:$0x1EF88] =	vst v63  }
0x1f3: {  	s30 =	simm.s32 $0xA138;
	s2 =	simm.s32 $0x0  }
0x1f4: {  	[tilespmem:s30], [sflag:$0x7] =	stream.linear.gather [spmem:s2], $0x800, $0x38;
	[tilespmem:$0x1EF88] =	vst v63  }
.Ltmp37:
0x1f5: {  	_ = 	snop;
	(pc) =	sbr.rel .LBB2_47-.Ltmp37, $4  }
0x1f6: {  	_ =	swait.ge [sflag:s0], $0x820  }
0x1f7: {  	[sflag:s0] =	ssyncset.done $0x0  }
0x1f8: {  	s31 =	simm.s32 $0x8;
	[sflag:s0] =	ssyncadd.s32 $0xFFFFF7E0  }
0x1f9: {  	s3 =	simm.s32 $0x0;
	[sflag:s31] =	ssyncpa.u1 $0x0  }
.LBB2_53:
0x1fa: {  	p1 =	slt.u32 s0, $0x270FF9  }
0x1fb: {  	s4 =	sand.u32 @p1 $0x3FFFF8, s0  }
0x1fc: {  	s0 =	sand.u32 @p1 $0x7, s0;
	s5 =	simm.s32 @p1 $0xA0C8;
	s4 =	sadd.s32 @p1 s1, s4  }
0x1fd: {  	[tilespmem:s5], [sflag:$0x8] =	stream.linear.gather @p1 [hbm4b:s4+s0], $0x40, $0x38;
	[tilespmem:$0x1EF88] =	vst v63  }
0x1fe: {  	s0 =	simm.s32 @p1 $0x8  }
0x1ff: {  	_ =	swait.ge @p1 [sflag:s0], $0x40  }
0x200: {  	[sflag:s0] =	ssyncset.done @p1 $0x0  }
0x201: {  	[sflag:s0] =	ssyncadd.s32 @p1 $0xFFFFFFC0  }
0x202: {  	v1 =	vld @p1 [tilespmem:$0xA0C8];
	_ =	sdelay $0x2  }
0x203: {  	s0 =	sshll.u32 @p1 s3, $0x8  }
0x204: {  	s4 =	sshrl.u32 @p1 s0, $0x2  }
0x205: {  	[tilespmem:s4+$0xA138] =	vst.add.f32.msk @p1 $0xffff, v1  }
0x206: {  	v1 =	vld @p1 [tilespmem:$0xA0D8];
	_ =	sdelay $0x4  }
0x207: {  	[tilespmem:s4+$0xA148] =	vst.add.f32.msk @p1 $0xffff, v1  }
0x208: {  	v1 =	vld @p1 [tilespmem:$0xA0E8];
	_ =	sdelay $0x4  }
0x209: {  	[tilespmem:s4+$0xA158] =	vst.add.f32.msk @p1 $0xffff, v1  }
0x20a: {  	v1 =	vld @p1 [tilespmem:$0xA0F8];
	_ =	sdelay $0x3  }
0x20b: {  	s5 =	sshll.u32 @!p1 s3, $0x8  }
0x20c: {  	s5 =	smov.u32 @p1 s0;
	[tilespmem:s4+$0xA168] =	vst.add.f32.msk @p1 $0xffff, v1  }
0x20d: {  	s0 =	sshrl.u32 s5, $0x2;
	[tilespmem:s2+$0xA118] =	vst.msk $0x1, v0  }
0x20e: {  	v0 =	vld [tilespmem:s0+$0xA138];
	_ =	sdelay $0x2  }
0x20f: {  	s31 =	sshll.u32 s2, $0x8  }
0x210: {  	s4 =	sshra.s32 s31, $0x2  }
0x211: {  	[tilespmem:s4+$0xA138] =	vst v0  }
0x212: {  	v0 =	vld [tilespmem:s0+$0xA148];
	_ =	sdelay $0x4  }
0x213: {  	[tilespmem:s4+$0xA148] =	vst v0  }
0x214: {  	v0 =	vld [tilespmem:s0+$0xA158];
	_ =	sdelay $0x4  }
0x215: {  	[tilespmem:s4+$0xA158] =	vst v0  }
0x216: {  	v0 =	vld [tilespmem:s0+$0xA168];
	_ =	sdelay $0x4  }
0x217: {  	s2 =	sadd.s32 $0x1, s2;
	[tilespmem:s4+$0xA168] =	vst v0  }
.LBB2_54:
0x218: {  	s3 =	sadd.s32 $0x1, s3  }
0x219: {  	p1 =	sne.s32 s3, $0x20  }
.Ltmp38:
0x21a: {  	_ = 	snop;
	(pc) =	sbr.rel @!p1 .LBB2_55-.Ltmp38, $1  }
0x21b: {  	_ =	sdelay $0x3  }
.LBB2_47:
0x21c: {  	v0 =	vld.msk [tilespmem:s3+$0xA118], $0x1;
	_ =	sdelay $0x4  }
0x21d: {  	(v2sf) =	vpush v0, $0x0;
	_ =	sdelay $0xe  }
0x21e: {  	s0 =	spop (v2sf)  }
0x21f: {  	p1 =	seq.s32 s0, $0xFFFFFFFF  }
.Ltmp39:
0x220: {  	_ = 	snop;
	(pc) =	sbr.rel @p1 .LBB2_54-.Ltmp39, $1  }
0x221: {  	_ =	sdelay $0x3  }
0x222: {  	p1 =	slt.s32 s2, $0x1  }
.Ltmp40:
0x223: {  	_ = 	snop;
	(pc) =	sbr.rel @p1 .LBB2_53-.Ltmp40, $1  }
0x224: {  	_ =	sdelay $0x3  }
0x225: {  	s4 =	simm.s32 $0xA118;
	p1 =	por $0x0, $0x0  }
0x226: {  	v1 =	vld.msk @!p1 [tilespmem:s4+$0x0], $0x1;
	_ =	sdelay $0x4  }
0x227: {  	(v2sf) =	vpush @!p1 v1, $0x0;
	_ =	sdelay $0xd  }
0x228: {  	p3 =	sne.s32 s2, $0x1  }
.Ltmp41:
0x229: {  	s5 =	spop @!p1 (v2sf);
	(pc) =	sbr.rel @!p3 .LBB2_51-.Ltmp41, $4  }
0x22a: {  	p2 =	seq.s32 @!p1 s0, s5  }
0x22b: {  	s5 =	simm.s32 $0x0;
	p2 =	por !p2, p1  }
0x22c: {  	s7 =	simm.s32 $0xFFFFFFFF;
	s5 =	simm.s32 @p2 $0xFFFFFFFF  }
0x22d: {  	s6 =	simm.s32 $0x1;
	s5 =	smov.u32 @p1 s7  }
.LBB2_50:
0x22e: {  	s7 =	smov.u32 s5;
	p1 =	sne.s32 s5, $0xFFFFFFFF  }
0x22f: {  	s4 =	sadd.s32 $0x1, s4;
	s5 =	smov.u32 s6;
	s6 =	sadd.s32 $0x1, s6  }
0x230: {  	p2 =	sne.s32 s2, s6;
	v1 =	vld.msk @!p1 [tilespmem:s4+$0x0], $0x1;
	_ =	sdelay $0x4  }
0x231: {  	(v2sf) =	vpush @!p1 v1, $0x0;
	_ =	sdelay $0xe  }
.Ltmp42:
0x232: {  	s8 =	spop @!p1 (v2sf);
	(pc) =	sbr.rel @p2 .LBB2_50-.Ltmp42, $4  }
0x233: {  	p3 =	seq.s32 @!p1 s0, s8  }
0x234: {  	p3 =	por !p3, p1  }
0x235: {  	s5 =	simm.s32 @p3 $0xFFFFFFFF  }
0x236: {  	s5 =	smov.u32 @p1 s7  }
.LBB2_51:
0x237: {  	p1 =	seq.s32 s5, $0xFFFFFFFF  }
.Ltmp43:
0x238: {  	_ = 	snop;
	(pc) =	sbr.rel @p1 .LBB2_53-.Ltmp43, $1  }
0x239: {  	_ =	sdelay $0x3  }
0x23a: {  	s0 =	sshll.u32 s3, $0x6  }
0x23b: {  	s0 =	sand.u32 $0x3FFFFFC0, s0  }
0x23c: {  	v0 =	vld [tilespmem:s0+$0xA138];
	_ =	sdelay $0x2  }
0x23d: {  	s4 =	sshll.u32 s5, $0x8  }
0x23e: {  	s4 =	sshra.s32 s4, $0x2  }
0x23f: {  	[tilespmem:s4+$0xA138] =	vst.add.f32.msk $0xffff, v0  }
0x240: {  	v0 =	vld [tilespmem:s0+$0xA148];
	_ =	sdelay $0x4  }
0x241: {  	[tilespmem:s4+$0xA148] =	vst.add.f32.msk $0xffff, v0  }
0x242: {  	v0 =	vld [tilespmem:s0+$0xA158];
	_ =	sdelay $0x4  }
0x243: {  	[tilespmem:s4+$0xA158] =	vst.add.f32.msk $0xffff, v0  }
0x244: {  	v0 =	vld [tilespmem:s0+$0xA168]  }
.Ltmp44:
0x245: {  	_ = 	snop;
	(pc) =	sbr.rel .LBB2_54-.Ltmp44, $2  }
0x246: {  	_ =	sdelay $0x2  }
0x247: {  	[tilespmem:s4+$0xA168] =	vst.add.f32.msk $0xffff, v0  }
.LBB2_55:
0x248: {  	p1 =	slt.s32 s2, $0x1  }
.Ltmp45:
0x249: {  	_ = 	snop;
	(pc) =	sbr.rel @p1 .LBB2_59-.Ltmp45, $3  }
0x24a: {  	_ =	sdelay $0x1  }
0x24b: {  	s0 =	simm.s32 $0x8  }
0x24c: {  	[sflag:s0] =	ssyncpa.u1 $0x1;
	s0 =	simm.s32 $0x0  }
0x24d: {  	s3 =	simm.s32 $0xA118  }
0x24e: {  	v0 =	vld.msk [tilespmem:s3+$0x0], $0x1;
	_ =	sdelay $0x4  }
0x24f: {  	(v2sf) =	vpush v0, $0x0;
	_ =	sdelay $0xe  }
0x250: {  	s2 =	sadd.s32 $0xFFFFFFFF, s2;
	s4 =	spop (v2sf)  }
0x251: {  	p2 =	sne.s32 s2, $0x0;
	p1 =	sgt.u32 s4, $0x270FF8  }
.Ltmp46:
0x252: {  	s5 =	sand.u32 @!p1 $0x3FFFF8, s4;
	(pc) =	sbr.rel @!p2 .LBB2_58-.Ltmp46, $4  }
0x253: {  	s3 =	simm.s32 $0xA138;
	s4 =	sand.u32 @!p1 $0x7, s4;
	s5 =	sadd.s32 @!p1 s1, s5  }
0x254: {  	[hbm4b:s5+s4] =	stream.linear.scatter @!p1 [tilespmem:s3], [sflag:$0x7], $0x40, $0x38;
	[tilespmem:$0x1EF88] =	vst v63  }
0x255: {  	s5 =	simm.s32 $0x0  }
0x256: {  	s4 =	simm.s32 $0xA119;
	s5 =	simm.s32 @!p1 $0x100  }
.LBB2_57:
0x257: {  	v0 =	vld.msk [tilespmem:s4+$0x0], $0x1;
	s2 =	sadd.s32 $0xFFFFFFFF, s2;
	s0 =	sadd.s32 s0, s5  }
0x258: {  	p1 =	sne.s32 s2, $0x0;
	_ =	sdelay $0x3  }
0x259: {  	(v2sf) =	vpush v0, $0x0;
	_ =	sdelay $0xe  }
.Ltmp47:
0x25a: {  	s6 =	spop (v2sf);
	(pc) =	sbr.rel @p1 .LBB2_57-.Ltmp47, $4  }
0x25b: {  	s5 =	simm.s32 $0x0;
	p2 =	sgt.u32 s6, $0x270FF8  }
0x25c: {  	s3 =	sadd.s32 $0x40, s3;
	s5 =	simm.s32 @!p2 $0x100;
	s7 =	sand.u32 @!p2 $0x3FFFF8, s6  }
0x25d: {  	s4 =	sadd.s32 $0x1, s4;
	s6 =	sand.u32 @!p2 $0x7, s6;
	s7 =	sadd.s32 @!p2 s1, s7  }
0x25e: {  	[hbm4b:s7+s6] =	stream.linear.scatter @!p2 [tilespmem:s3], [sflag:$0x7], $0x40, $0x38;
	[tilespmem:$0x1EF88] =	vst v63  }
.LBB2_58:
0x25f: {  	s0 =	sadd.s32 s0, s5  }
0x260: {  	s0 =	sshrl.u32 s0, $0x2  }
.LBB2_59:
0x261: {  	s1 =	simm.s32 $0x7  }
0x262: {  	_ =	swait.ge [sflag:s1], s0  }
0x263: {  	s31 =	ssub.s32 $0x0, s0;
	[sflag:s1] =	ssyncset.done $0x0  }
0x264: {  	[sflag:s1] =	ssyncadd.s32 s31  }
0x265: {  	[sflag:s1] =	ssyncpa.u1 $0x1  }
.LBB2_60:
0x266: {  	_ =	sfence;
	s0 =	simm.s32 $0x1  }
0x267: {  	[sflag:s0] =	ssyncpa.u1 $0x1  }
0x268: {  	_ =	strace $0x9000004A  }
0x269: {  	[bflag:$0x2] =	sbarrier.arrive $0xFFFF  }
0x26a: {  	s0 =	rddreg [dreg:$0x4]  }
0x26b: {  	s0 =	sadd.s32 @!p0 $0x100000, s0  }
0x26c: {  	[sflag:s0] =	ssyncadd.tile.s32 @!p0 $0x1;
	_ =	shalt  }
.Lfunc_end2:
_tile_overlayer_lowered:
.L_overlay_start_2:
0x26d: {  	(tag) =	ssettag $0x2  }
0x26e: {  	s0 =	rddreg [dreg:$0x0];
	s2 =	stileid.u32  }
0x26f: {  	s1 =	rddreg [dreg:$0x1];
	p0 =	sne.s32 s2, $0x0  }
0x270: {  	s3 =	rddreg [dreg:$0x2];
	[bflag:$0x3] =	sbarrier.arrive $0xFFFF;
	s2 =	simm.s32 @!p0 $0x1C01  }
0x271: {  	[timem:s3], [sflag:s2] =	dma.local @!p0 [hbm:s0], s1  }
0x272: {  	s0 =	simm.s32 @!p0 $0x1  }
0x273: {  	_ =	swait.ge @!p0 [sflag:s0], s1  }
0x274: {  	s1 =	ssub.s32 @!p0 $0x0, s1;
	[sflag:s0] =	ssyncset.done @!p0 $0x0  }
0x275: {  	[sflag:s0] =	ssyncadd.s32 @!p0 s1  }
0x276: {  	[bflag:$0x3] =	sbarrier.arrive $0xFFFF  }
0x277: {  	_ =	shalt  }

// kernel: sparse-core-data-format-call.cloned.1.call-start
scs
called_computation.1_lowered:
.L_overlay_start_0:
0x0: {  	s1 =	sld [smem:$0x3FD9]  }
0x1: {  	s2 =	sld [smem:$0x3FFE];
	_ =	sdelay $0x1  }
0x2: {  	s3 =	srdreg.scid  }
0x3: {  	s0 =	sand.u32 $0x1, s3  }
0x4: {  	s17 =	sshll.u32 s0, $0xA;
	s1 =	sadd.s32 s2, s1  }
0x5: {  	s1 =	sadd.s32 s1, s17  }
0x6: {  	[smem:$0x3FBF] =	sst s1  }
0x7: {  	_ = 	snop  }
0x8: {  	(tm) =	ssettm $0x1  }
0x9: {  	s18 =	sld [smem:$0x3FFB];
	_ =	sdelay $0x3  }
0xa: {  	_ =	strace s18  }
0xb: {  	s1 =	sld [smem:$0x3FFC];
	_ =	sdelay $0x3  }
0xc: {  	_ =	strace s1  }
0xd: {  	s1 =	sld [smem:$0x3FFD];
	_ =	sdelay $0x3  }
0xe: {  	_ =	strace s1  }
0xf: {  	_ =	strace $0x8FFFFFFF  }
0x10: {  	s19 =	sld [smem:$0x3FDB];
	_ =	sdelay $0x1  }
0x11: {  	s20 =	simm.s32 $_scs_section_size  }
0x12: {  	s4 =	simm.s32 $_size__tile_overlayer_lowered;
	s5 =	simm.s32 $_tile_overlayer_lowered  }
0x13: {  	s23 =	simm.s32 $0x1BFF;
	s22 =	sshll.u32 s5, $0x1;
	s1 =	sadd.s32 s20, s19  }
0x14: {  	s6 =	simm.s32 $0x0;
	s21 =	sshll.u32 s4, $0x1;
	s4 =	sadd.s32 s22, s1  }
0x15: {  	[timem:s6], [sflag:s23] =	dma.local [hbm:s4], s21  }
0x16: {  	_ =	swait.ge [sflag:s23], s21  }
0x17: {  	s2 =	ssub.s32 $0x0, s21;
	[sflag:s23] =	ssyncset.done $0x0  }
0x18: {  	[sflag:s23] =	ssyncadd.s32 s2;
	_ =	sdelay $0x1  }
0x19: {  	s24 =	simm.s32 $0x1B8B  }
0x1a: {  	_ =	swait.ge [sflag:s24], $0x1  }
0x1b: {  	[sflag:s24] =	ssyncset.done $0x0  }
0x1c: {  	s26 =	simm.s32 $0x1B8E;
	s25 =	sld [smem:$0x3FFE];
	[sflag:s24] =	ssyncadd.s32 $0xFFFFFFFF  }
0x1d: {  	s27 =	simm.s32 $execute0_lowered;
	[smem:$0x3FD2] =	sst s26  }
0x1e: {  	s4 =	sshll.u32 s27, $0x1;
	_ =	strace $0x80000046;
	[dreg:$0x1] =	wrdreg $0xFFFFFFFF  }
0x1f: {  	s28 =	simm.s32 $_size_execute0_lowered;
	s1 =	sadd.s32 s1, s4;
	[dreg:$0x0] =	wrdreg $0x0  }
0x20: {  	s4 =	sshll.u32 s28, $0x1;
	[dreg:$0x2] =	wrdreg s1  }
0x21: {  	[dreg:$0x3] =	wrdreg s4  }
0x22: {  	[dreg:$0x4] =	wrdreg $0xC0  }
0x23: {  	_ =	task [dreg:s6], $0x5FFFF  }
0x24: {  	[dreg:$0x1] =	wrdreg $0xFFFFFFFF  }
0x25: {  	[dreg:$0x0] =	wrdreg $0x60  }
0x26: {  	[dreg:$0x2] =	wrdreg s25  }
0x27: {  	[dreg:$0x3] =	wrdreg $0x9  }
0x28: {  	_ =	task.clear_ibuf [dreg:s6], $0x4FFFF;
	_ =	strace $0x90000046  }
0x29: {  	s29 =	simm.s32 $0x9;
	_ =	strace $0x80000048  }
0x2a: {  	_ =	swait.ge [sflag:s29], $0x1  }
0x2b: {  	[sflag:s29] =	ssyncadd.s32 $0xFFFFFFFF  }
0x2c: {  	_ =	strace $0x90000048  }
0x2d: {  	_ =	sfence  }
0x2e: {  	s30 =	sld [smem:$0x0];
	_ =	sdelay $0x2  }
0x2f: {  	s31 =	sshll.u32 s3, $0xD;
	s3 =	sshrl.u32 s3, $0x2  }
0x30: {  	s2 =	sand.u32 $0x4000, s31;
	s1 =	sadd.s32 s3, s30  }
0x31: {  	s0 =	sor.u32 s2, s0;
	s1 =	sshll.u32 s1, $0x11  }
0x32: {  	s0 =	sor.u32 s1, s0  }
0x33: {  	s0 =	sadd.s32 $0x8F2B, s0  }
0x34: {  	[sflag:s0] =	ssyncadd.remote.s32 $0x1  }
0x35: {  	_ =	sfence.sel $0xFFFF  }
0x36: {  	[dreg:$0x0] =	wrdreg $0xFFFFFFFF;
	(pc) =	sbr.abs _section_cstart, $3  }
0x37: {  	[dreg:$0x1] =	wrdreg $0xFFFFFFFF  }
0x38: {  	_ =	task.clear_ibuf [dreg:s6], $0x2FFFF;
	_ =	strace $0x9FFFFFFF  }
0x39: {  	(tm) =	ssettm $0x7FFFFFFF  }
tec
execute0_lowered:
.L_overlay_start_1:
0x0: {  	(tag) =	ssettag $0x1  }
0x1: {  	s0 =	srdreg.scid  }
0x2: {  	s6 =	rddreg [dreg:$0x0];
	s7 =	simm.s32 $0x1;
	s1 =	sshll.u32 s0, $0x4  }
0x3: {  	s8 =	simm.s32 $0x2;
	s0 =	stileid.u32;
	s1 =	sand.u32 $0x10, s1  }
0x4: {  	s13 =	simm.s32 $0x0;
	s12 =	simm.s32 $0x0;
	s1 =	sor.u32 s0, s1  }
0x5: {  	s10 =	simm.s32 $0x0;
	s11 =	simm.s32 $0x0;
	s2 =	sshll.u32 s1, $0x8  }
0x6: {  	s3 =	sadd.s32 $0x1068A00, s6;
	s6 =	sadd.s32 $0xEE000, s6;
	s5 =	ssub.s32 $0xA9200, s2  }
.Ltmp0:
0x7: {  	s1 =	rddreg [dreg:$0x1];
	s4 =	sand.u32 $0x1F00, s5;
	(pc) =	sbr.rel .LBB1_1-.Ltmp0, $4  }
0x8: {  	_ =	strace $0x80000047;
	s9 =	smov.u32 s2;
	p0 =	sne.s32 s4, $0x0  }
0x9: {  	s5 =	sshrl.u32 s5, $0xD;
	s4 =	simm.s32 $0x1;
	s7 =	simm.s32 @!p0 $0x0  }
0xa: {  	[sflag:s4] =	ssyncpa.u1 $0x0;
	p0 =	por $0x0, $0x0;
	s5 =	sadd.s32 s7, s5  }
0xb: {  	[sflag:s8] =	ssyncpa.u1 $0x0;
	s8 =	simm.s32 $0x80;
	s7 =	sadd.s32 $0x1, s5  }
.LBB1_4:
0xc: {  	_ =	sdelay $0x3  }
0xd: {  	s21 =	sor.u32 s24, s23;
	v47 =	vld.idx.msk [tilespmem:v0+s16+$0x470 ss:$0x1], $0xffff  }
0xe: {  	v57 =	vld.idx.msk [tilespmem:v0+s21+$0x410 ss:$0x1], $0xffff  }
0xf: {  	v58 =	vld.idx.msk [tilespmem:v0+s21+$0x420 ss:$0x1], $0xffff  }
0x10: {  	[tilespmem:s18+$0x1860 ss:$0x41] =	vst.msk $0xffff, v8;
	v59 =	vld.idx.msk [tilespmem:v0+s21+$0x430 ss:$0x1], $0xffff  }
0x11: {  	[tilespmem:s18+$0x1C70 ss:$0x41] =	vst.msk $0xffff, v7;
	v60 =	vld.idx.msk [tilespmem:v0+s21+$0x440 ss:$0x1], $0xffff  }
0x12: {  	[tilespmem:s18+$0x2490 ss:$0x41] =	vst.msk $0xffff, v1;
	s22 =	sand.u32 $0x3B00, s21;
	v61 =	vld.idx.msk [tilespmem:v0+s21+$0x450 ss:$0x1], $0xffff  }
0x13: {  	s20 =	sand.u32 $0x80, s20;
	[tilespmem:s18+$0x28A0 ss:$0x41] =	vst.msk $0xffff, v2;
	v62 =	vld.idx.msk [tilespmem:v0+s21+$0x460 ss:$0x1], $0xffff;
	s15 =	sadd.s32 s22, s15  }
0x14: {  	[tilespmem:s18+$0x2CB0 ss:$0x41] =	vst.msk $0xffff, v3;
	v63 =	vld.idx.msk [tilespmem:v0+s21+$0x470 ss:$0x1], $0xffff;
	s15 =	sadd.s32 s20, s15  }
0x15: {  	[tilespmem:s18+$0x30C0 ss:$0x41] =	vst.msk $0xffff, v4;
	v48 =	vld [tilespmem:s15+$0x400]  }
0x16: {  	[tilespmem:s18+$0x34D0 ss:$0x41] =	vst.msk $0xffff, v5;
	v49 =	vld [tilespmem:s15+$0x0]  }
0x17: {  	s25 =	sshra.s32 s19, $0x2;
	[tilespmem:s18+$0x38E0 ss:$0x41] =	vst.msk $0xffff, v6;
	v50 =	vld [tilespmem:s15+$0x10]  }
0x18: {  	s16 =	sadd.s32 s25, s17;
	v51 =	vld [tilespmem:s15+$0x20];
	[tilespmem:s18+$0x3CF0 ss:$0x41] =	vst.msk $0xffff, v47  }
0x19: {  	v52 =	vld [tilespmem:s15+$0x30];
	[tilespmem:s16+$0x2490 ss:$0x41] =	vst.msk $0xffff, v57  }
0x1a: {  	v53 =	vld [tilespmem:s15+$0x40];
	[tilespmem:s16+$0x28A0 ss:$0x41] =	vst.msk $0xffff, v58  }
0x1b: {  	v54 =	vld [tilespmem:s15+$0x50];
	[tilespmem:s16+$0x2CB0 ss:$0x41] =	vst.msk $0xffff, v59  }
0x1c: {  	s13 =	sshll.u32 s13, $0x7;
	s26 =	sshll.u32 s12, $0x3;
	v55 =	vld [tilespmem:s15+$0x60];
	[tilespmem:s16+$0x30C0 ss:$0x41] =	vst.msk $0xffff, v60  }
0x1d: {  	s27 =	sand.u32 $0xFFFFFC00, s13;
	v56 =	vld [tilespmem:s15+$0x70];
	s15 =	sand.u32 $0xFFFFFC00, s26;
	[tilespmem:s16+$0x34D0 ss:$0x41] =	vst.msk $0xffff, v61  }
0x1e: {  	s13 =	sand.u32 $0x380, s13;
	s15 =	sadd.s32 s15, s27;
	[tilespmem:s16+$0x38E0 ss:$0x41] =	vst.msk $0xffff, v62  }
0x1f: {  	s13 =	sor.u32 s13, s15;
	[tilespmem:s16+$0x3CF0 ss:$0x41] =	vst.msk $0xffff, v63  }
0x20: {  	s13 =	sshrl.u32 s13, $0x7;
	[tilespmem:s16+$0x2080 ss:$0x41] =	vst.msk $0xffff, v48  }
0x21: {  	s28 =	smulhi.u32 $0x3070031, s13;
	[tilespmem:s16+$0x0 ss:$0x41] =	vst.msk $0xffff, v49  }
0x22: {  	[tilespmem:s16+$0x410 ss:$0x41] =	vst.msk $0xffff, v50  }
0x23: {  	[tilespmem:s16+$0x820 ss:$0x41] =	vst.msk $0xffff, v51;
	s15 =	sshrl.u32 s28, $0xD  }
0x24: {  	[tilespmem:s16+$0xC30 ss:$0x41] =	vst.msk $0xffff, v52;
	s15 =	smul.u32 $0xA9200, s15  }
0x25: {  	s29 =	sshrl.u32 s12, $0x3;
	[tilespmem:s16+$0x1040 ss:$0x41] =	vst.msk $0xffff, v53  }
0x26: {  	s31 =	sand.u32 $0x7, s12;
	s30 =	sand.u32 $0xF, s29;
	[tilespmem:s16+$0x1450 ss:$0x41] =	vst.msk $0xffff, v54;
	s13 =	ssub.s32 s13, s15  }
0x27: {  	s12 =	sshll.u32 s31, $0x12;
	[tilespmem:s16+$0x1860 ss:$0x41] =	vst.msk $0xffff, v55;
	s15 =	sadd.s32 s6, s30;
	s13 =	sshll.u32 s13, $0x4  }
0x28: {  	s12 =	sor.u32 $0x40, s12;
	[tilespmem:s16+$0x1C70 ss:$0x41] =	vst.msk $0xffff, v56;
	s13 =	sadd.s32 s13, s15  }
0x29: {  	[hbm4b:s13+s12] =	stream.strided.scatter [tilespmem:s14], [sflag:$0x2], $0x4000, s8, s12, $0x18;
	[tilespmem:$0x10200] =	vst v63  }
.LBB1_5:
0x2a: {  	s14 =	sadd.s32 $0x2000, s9  }
0x2b: {  	s12 =	sadd.s32 $0x40, s10;
	s16 =	smov.u32 s10;
	p2 =	sgt.s32 s14, $0xA91FF  }
0x2c: {  	s16 =	smov.u32 @p2 s12  }
0x2d: {  	s14 =	smov.u32 @p2 s2;
	p2 =	sgt.s32 s16, $0x3F  }
0x2e: {  	s16 =	simm.s32 @p2 $0x0;
	p2 =	sne.s32 s11, s7  }
.Ltmp1:
0x2f: {  	p1 =	slt.u32 s11, $0x2;
	(pc) =	sbr.rel @!p2 .LBB1_6-.Ltmp1, $4  }
0x30: {  	s15 =	simm.s32 @!p1 $0x2  }
0x31: {  	s13 =	smov.u32 s9;
	p0 =	por !p0, !p0;
	_ =	swait.ge @!p1 [sflag:s15], $0x4000  }
0x32: {  	s12 =	smov.u32 s10;
	[sflag:s15] =	ssyncset.done @!p1 $0x0;
	s9 =	smov.u32 s14  }
0x33: {  	s11 =	sadd.s32 $0x1, s11;
	[sflag:s15] =	ssyncadd.s32 @!p1 $0xFFFFC000;
	s10 =	smov.u32 s16  }
.LBB1_1:
0x34: {  	p1 =	sge.u32 s11, s5  }
0x35: {  	s14 =	sshrl.u32 @!p1 s10, $0x3  }
0x36: {  	s15 =	sshll.u32 @!p1 s9, $0x3;
	s14 =	smul.u32 @!p1 $0x549000, s14  }
0x37: {  	s16 =	sshll.u32 @!p1 s10, $0x7;
	s15 =	sand.u32 @!p1 $0xFFFFFC00, s15  }
0x38: {  	s14 =	sadd.s32 @!p1 s14, s15;
	s15 =	sand.u32 @!p1 $0x380, s16  }
0x39: {  	s14 =	sor.u32 @!p1 s15, s14  }
0x3a: {  	s15 =	sshrl.u32 @!p1 s14, $0x9  }
0x3b: {  	s15 =	smulhi.u32 @!p1 $0xC1C00D, s15;
	_ =	sdelay $0x1  }
0x3c: {  	s15 =	sshrl.u32 @!p1 s15, $0x2  }
0x3d: {  	s16 =	sand.u32 @!p1 $0x7F, s9;
	s17 =	smul.u32 @!p1 $0xA9200, s15  }
0x3e: {  	s31 =	sadd.s32 $0xFFFFFFFF, s11;
	s14 =	sor.u32 @!p1 s16, s14;
	s16 =	sxor.u32 @!p1 $0xFFFFFFFF, s11  }
0x3f: {  	s16 =	sshll.u32 @!p1 s16, $0xE;
	s15 =	sand.u32 @!p1 $0x3F, s15;
	s14 =	ssub.s32 @!p1 s14, s17  }
0x40: {  	s15 =	smul.u32 @!p1 $0x15240, s15;
	s17 =	sshrl.u32 @!p1 s14, $0x3;
	s14 =	sand.u32 @!p1 $0x7, s14  }
0x41: {  	s16 =	sand.u32 @!p1 $0x4000, s16;
	s17 =	sadd.s32 @!p1 s3, s17;
	s14 =	sshll.u32 @!p1 s14, $0x12  }
0x42: {  	s15 =	sadd.s32 @!p1 s15, s17;
	s14 =	sor.u32 @!p1 $0x800, s14;
	s17 =	simm.s32 @!p1 $0x549000  }
0x43: {  	[tilespmem:s16], [sflag:$0x1] =	stream.strided.gather @!p1 [hbm4b:s15+s14], $0x4000, s17, s14, $0x38;
	[tilespmem:$0x10200] =	vst v63  }
0x44: {  	p1 =	sge.u32 s31, s5  }
.Ltmp2:
0x45: {  	_ = 	snop;
	(pc) =	sbr.rel @p1 .LBB1_5-.Ltmp2, $1  }
0x46: {  	_ =	sdelay $0x3  }
0x47: {  	s17 =	simm.s32 $0x0  }
0x48: {  	s16 =	sand.u32 $0x3800, s17;
	s18 =	sand.u32 $0x380, s17  }
0x49: {  	s14 =	sand.u32 $0x1, s11;
	s16 =	sor.u32 s18, s16  }
0x4a: {  	_ =	swait.ge [sflag:s4], $0x4000;
	s15 =	sshll.u32 s14, $0xE;
	s18 =	sand.u32 $0x3B00, s16  }
0x4b: {  	[sflag:s4] =	ssyncset.done $0x0;
	s17 =	sand.u32 $0x80, s17;
	s18 =	sadd.s32 s18, s15  }
0x4c: {  	[sflag:s4] =	ssyncadd.s32 $0xFFFFC000;
	s20 =	sadd.s32 s17, s18  }
0x4d: {  	v4 =	vld [tilespmem:s20+$0x400]  }
0x4e: {  	s19 =	simm.s32 $0x1;
	v5 =	vld [tilespmem:s20+$0x0]  }
0x4f: {  	s19 =	simm.s32 @!p0 $0x0;
	v6 =	vld [tilespmem:s20+$0x10]  }
0x50: {  	v0 =	vmov s15;
	s31 =	smul.u32 $0x10400, s19;
	v7 =	vld [tilespmem:s20+$0x20]  }
0x51: {  	v9 =	vld [tilespmem:s20+$0x30]  }
0x52: {  	s17 =	sshrl.u32 s31, $0x2;
	v10 =	vld [tilespmem:s20+$0x40]  }
0x53: {  	s17 =	sor.u32 $0x8000, s17;
	v11 =	vld [tilespmem:s20+$0x50]  }
0x54: {  	v8 =	vld [tilespmem:s20+$0x60];
	s18 =	sadd.s32 $0x0, s17  }
0x55: {  	v1 =	vld.idx.msk [tilespmem:v0+s16+$0x410 ss:$0x1], $0xffff;
	[tilespmem:s18+$0x2080 ss:$0x41] =	vst.msk $0xffff, v4  }
0x56: {  	v2 =	vld.idx.msk [tilespmem:v0+s16+$0x420 ss:$0x1], $0xffff;
	[tilespmem:s18+$0x0 ss:$0x41] =	vst.msk $0xffff, v5  }
0x57: {  	v3 =	vld.idx.msk [tilespmem:v0+s16+$0x430 ss:$0x1], $0xffff;
	[tilespmem:s18+$0x410 ss:$0x41] =	vst.msk $0xffff, v6  }
0x58: {  	s14 =	smul.u32 $0x10400, s14;
	[tilespmem:s18+$0x820 ss:$0x41] =	vst.msk $0xffff, v7;
	v7 =	vld [tilespmem:s20+$0x70]  }
0x59: {  	s21 =	simm.s32 $0x100;
	s22 =	simm.s32 $0x8;
	[tilespmem:s18+$0xC30 ss:$0x41] =	vst.msk $0xffff, v9;
	v4 =	vld.idx.msk [tilespmem:v0+s16+$0x440 ss:$0x1], $0xffff  }
0x5a: {  	s23 =	sand.u32 $0x3800, s21;
	s14 =	sshrl.u32 s14, $0x2;
	[tilespmem:s18+$0x1040 ss:$0x41] =	vst.msk $0xffff, v10;
	v5 =	vld.idx.msk [tilespmem:v0+s16+$0x450 ss:$0x1], $0xffff;
	s20 =	simm.s32 $0x80  }
0x5b: {  	s19 =	simm.s32 $0x4;
	s14 =	sor.u32 $0x8000, s14;
	[tilespmem:s18+$0x1450 ss:$0x41] =	vst.msk $0xffff, v11;
	v6 =	vld.idx.msk [tilespmem:v0+s16+$0x460 ss:$0x1], $0xffff;
	s24 =	sand.u32 $0x380, s20  }
.LBB1_3:
0x5c: {  	p1 =	sne.s32 s22, $0xFC;
	[tilespmem:s18+$0x1860 ss:$0x41] =	vst.msk $0xffff, v8;
	v8 =	vld.idx.msk [tilespmem:v0+s16+$0x470 ss:$0x1], $0xffff;
	s16 =	sor.u32 s24, s23  }
0x5d: {  	s23 =	sand.u32 $0x3B00, s16;
	v9 =	vld.idx.msk [tilespmem:v0+s16+$0x410 ss:$0x1], $0xffff;
	[tilespmem:s18+$0x1C70 ss:$0x41] =	vst.msk $0xffff, v7  }
0x5e: {  	s24 =	sand.u32 $0x80, s20;
	s23 =	sadd.s32 s23, s15;
	v7 =	vld.idx.msk [tilespmem:v0+s16+$0x420 ss:$0x1], $0xffff;
	[tilespmem:s18+$0x2490 ss:$0x41] =	vst.msk $0xffff, v1  }
0x5f: {  	s23 =	sadd.s32 s24, s23;
	v10 =	vld.idx.msk [tilespmem:v0+s16+$0x430 ss:$0x1], $0xffff;
	[tilespmem:s18+$0x28A0 ss:$0x41] =	vst.msk $0xffff, v2  }
0x60: {  	v11 =	vld [tilespmem:s23+$0x400];
	[tilespmem:s18+$0x2CB0 ss:$0x41] =	vst.msk $0xffff, v3  }
0x61: {  	v12 =	vld [tilespmem:s23+$0x0];
	[tilespmem:s18+$0x30C0 ss:$0x41] =	vst.msk $0xffff, v4  }
0x62: {  	v4 =	vld [tilespmem:s23+$0x10];
	[tilespmem:s18+$0x34D0 ss:$0x41] =	vst.msk $0xffff, v5  }
0x63: {  	s24 =	sshra.s32 s19, $0x2;
	s19 =	smov.u32 s22;
	v1 =	vmov v9;
	v5 =	vld [tilespmem:s23+$0x20];
	[tilespmem:s18+$0x38E0 ss:$0x41] =	vst.msk $0xffff, v6  }
0x64: {  	v2 =	vmov v7;
	v6 =	vld [tilespmem:s23+$0x30];
	[tilespmem:s18+$0x3CF0 ss:$0x41] =	vst.msk $0xffff, v8;
	s18 =	sadd.s32 s24, s17  }
0x65: {  	v3 =	vmov v10;
	v9 =	vld [tilespmem:s23+$0x40];
	[tilespmem:s18+$0x2080 ss:$0x41] =	vst.msk $0xffff, v11  }
0x66: {  	[tilespmem:s18+$0x0 ss:$0x41] =	vst.msk $0xffff, v12;
	v10 =	vld [tilespmem:s23+$0x50]  }
.Ltmp3:
0x67: {  	[tilespmem:s18+$0x410 ss:$0x41] =	vst.msk $0xffff, v4;
	v8 =	vld [tilespmem:s23+$0x60];
	(pc) =	sbr.rel @p1 .LBB1_3-.Ltmp3, $4  }
0x68: {  	[tilespmem:s18+$0x820 ss:$0x41] =	vst.msk $0xffff, v5;
	v7 =	vld [tilespmem:s23+$0x70]  }
0x69: {  	[tilespmem:s18+$0xC30 ss:$0x41] =	vst.msk $0xffff, v6;
	v4 =	vld.idx.msk [tilespmem:v0+s16+$0x440 ss:$0x1], $0xffff  }
0x6a: {  	s20 =	sadd.s32 $0x80, s20;
	s21 =	sadd.s32 $0x100, s21;
	[tilespmem:s18+$0x1040 ss:$0x41] =	vst.msk $0xffff, v9;
	v5 =	vld.idx.msk [tilespmem:v0+s16+$0x450 ss:$0x1], $0xffff  }
0x6b: {  	s22 =	sadd.s32 $0x4, s22;
	s24 =	sand.u32 $0x380, s20;
	s23 =	sand.u32 $0x3800, s21;
	[tilespmem:s18+$0x1450 ss:$0x41] =	vst.msk $0xffff, v10;
	v6 =	vld.idx.msk [tilespmem:v0+s16+$0x460 ss:$0x1], $0xffff  }
.Ltmp4:
0x6c: {  	_ = 	snop;
	(pc) =	sbr.rel .LBB1_4-.Ltmp4, $1  }
0x6d: {  	_ =	sdelay $0x3  }
.LBB1_6:
0x6e: {  	_ =	sfence.sel $0x180000  }
0x6f: {  	s2 =	simm.s32 $0x1;
	[bflag:$0x0] =	sbarrier.arrive $0xFFFF  }
0x70: {  	s31 =	simm.s32 $0x2;
	[sflag:s2] =	ssyncpa.u1 $0x1  }
0x71: {  	[sflag:s31] =	ssyncpa.u1 $0x1  }
0x72: {  	p0 =	sne.s32 s0, $0x0;
	_ =	strace $0x90000047  }
0x73: {  	s0 =	sadd.s32 @!p0 $0x100000, s1;
	[bflag:$0x2] =	sbarrier.arrive $0xFFFF  }
0x74: {  	[sflag:s0] =	ssyncadd.tile.s32 @!p0 $0x1;
	_ =	shalt  }
.Lfunc_end1:
_tile_overlayer_lowered:
.L_overlay_start_2:
0x75: {  	(tag) =	ssettag $0x2  }
0x76: {  	s0 =	rddreg [dreg:$0x0];
	s2 =	stileid.u32  }
0x77: {  	s1 =	rddreg [dreg:$0x1];
	p0 =	sne.s32 s2, $0x0  }
0x78: {  	s3 =	rddreg [dreg:$0x2];
	[bflag:$0x3] =	sbarrier.arrive $0xFFFF;
	s2 =	simm.s32 @!p0 $0x1C01  }
0x79: {  	[timem:s3], [sflag:s2] =	dma.local @!p0 [hbm:s0], s1  }
0x7a: {  	s0 =	simm.s32 @!p0 $0x1  }
0x7b: {  	_ =	swait.ge @!p0 [sflag:s0], s1  }
0x7c: {  	s1 =	ssub.s32 @!p0 $0x0, s1;
	[sflag:s0] =	ssyncset.done @!p0 $0x0  }
0x7d: {  	[sflag:s0] =	ssyncadd.s32 @!p0 s1  }
0x7e: {  	[bflag:$0x3] =	sbarrier.arrive $0xFFFF  }
0x7f: {  	_ =	shalt  }

</sc_bundles>
